<compile_context>
chip_gen: v7x
topology: tpu7x:2x2x1
jax: 0.10.2.dev20260603
libtpu: 0.0.44.dev20260713+nightly
codegen_flags: <defaults>
</compile_context>

<pallas_src>
import functools
import math

import jax
import jax.numpy as jnp
from jax import lax
from jax.experimental import pallas as pl
from jax.experimental.pallas import tpu as pltpu
from jax.experimental.pallas import tpu_sc as plsc

_SCALE_CLAMP = math.log(1000.0 / 16.0)
_BA = 4096
_GR = _BA // 128
_I32_MIN = -2147483648
_I32_MAX = 2147483647


def _pass1_body(conf_ref, lbl_ref, ce_ref, pos_ref):
    conf = conf_ref[0]
    BA, C = conf.shape
    conf3 = conf.reshape(_GR, 128, C)
    lbl = lbl_ref[0]
    cid = jax.lax.broadcasted_iota(jnp.int32, (_GR, 128, C), 2)
    s = jnp.sum(jnp.exp(conf3), axis=2)
    lse = jnp.log(s)
    cl = jnp.sum(jnp.where(cid == lbl[:, :, None], conf3, 0.0), axis=2)
    ce_ref[0] = lse - cl
    pos_ref[0] = (lbl > 0).astype(jnp.float32)


def _make_box_sc(N, A):
    info = plsc.get_sparse_core_info()
    NC, NS, L = info.num_cores, info.num_subcores, info.num_lanes
    NW = NC * NS
    assert N == NW
    CH = 4000
    NCHUNK = A // CH
    assert A % CH == 0 and CH % L == 0
    mesh = plsc.VectorSubcoreMesh(core_axis_name="c", subcore_axis_name="s")

    @functools.partial(
        pl.kernel, mesh=mesh,
        out_type=jax.ShapeDtypeStruct((NW, L), jnp.float32),
        scratch_types=(
            [pltpu.VMEM((CH,), jnp.float32) for _ in range(12)]
            + [pltpu.VMEM((CH,), jnp.int32),
               pltpu.VMEM((L,), jnp.float32),
               pltpu.SemaphoreType.DMA]
        ),
    )
    def box_sc(d_hbm, g_hbm, a_hbm, l_hbm, out_hbm,
               dx_v, dy_v, dw_v, dh_v, x1_v, y1_v, x2_v, y2_v,
               g0_v, g1_v, g2_v, g3_v, l_v, acc_v, sem):
        wid = lax.axis_index("s") * NC + lax.axis_index("c")

        def chunk(c, z):
            dbase = wid * (4 * A) + c * CH
            cps = (
                (d_hbm, dbase, (dx_v, dy_v, dw_v, dh_v)),
                (a_hbm, c * CH, (x1_v, y1_v, x2_v, y2_v)),
                (g_hbm, dbase, (g0_v, g1_v, g2_v, g3_v)),
            )
            copies = [
                pltpu.make_async_copy(arr.at[pl.ds(off + comp * A, CH)],
                                      buf, sem)
                for arr, off, bufs in cps
                for comp, buf in enumerate(bufs)
            ]
            copies.append(
                pltpu.make_async_copy(l_hbm.at[pl.ds(wid * A + c * CH, CH)],
                                      l_v, sem))
            for cp in copies:
                cp.start()
            for cp in copies:
                cp.wait()

            def grp(j, acc):
                sl = pl.ds(j * L, L)
                lblv = l_v[sl]
                x1 = x1_v[sl]
                y1 = y1_v[sl]
                w = x2_v[sl] - x1
                h = y2_v[sl] - y1
                pcx = dx_v[sl] * w + (x1 + 0.5 * w)
                pcy = dy_v[sl] * h + (y1 + 0.5 * h)
                pw = jnp.exp(jnp.minimum(dw_v[sl], _SCALE_CLAMP)) * w
                ph = jnp.exp(jnp.minimum(dh_v[sl], _SCALE_CLAMP)) * h
                s = jnp.zeros((L,), jnp.float32)
                for pred, gv in ((pcx - 0.5 * pw, g0_v), (pcy - 0.5 * ph, g1_v),
                                 (pcx + 0.5 * pw, g2_v), (pcy + 0.5 * ph, g3_v)):
                    diff = pred - gv[sl]
                    ad = jnp.abs(diff)
                    s = s + jnp.where(ad < 1.0, 0.5 * diff * diff, ad - 0.5)
                return acc + jnp.where(lblv > 0, s, 0.0)

            return lax.fori_loop(0, CH // L, grp, z)

        acc_v[...] = lax.fori_loop(0, NCHUNK, chunk,
                                   jnp.zeros((L,), jnp.float32))
        pltpu.sync_copy(acc_v, out_hbm.at[wid])

    return box_sc


def _pass2_body(ce_ref, pos_ref, sl1_ref, cls_ref, box_ref, *, A):
    ce = ce_ref[...]
    pos = pos_ref[...]
    N, AP = ce.shape

    aidx = jax.lax.broadcasted_iota(jnp.int32, (N, AP), 1)
    valid = aidx < A
    np_rows = jnp.sum(pos, axis=1, keepdims=True)

    def _all_negatives_selected():
        return jnp.sum(jnp.where(valid, ce, 0.0))

    def _search():
        k = (np_rows * 3.0).astype(jnp.int32)
        si = jax.lax.bitcast_convert_type(ce, jnp.int32)
        keys = jnp.where(si < 0, si ^ 0x7FFFFFFF, si)
        keys = jnp.where((pos > 0.0) | (~valid), _I32_MIN, keys)

        def _vstep(_, lh):
            lo, hi = lh
            mid = (lo >> 1) + (hi >> 1) + ((lo | hi) & 1)
            cnt = jnp.sum((keys >= mid).astype(jnp.int32),
                          axis=1, keepdims=True)
            p = cnt >= k
            return jnp.where(p, mid, lo), jnp.where(p, hi, mid - 1)

        lo0 = jnp.full((N, 1), _I32_MIN, jnp.int32)
        hi0 = jnp.full((N, 1), _I32_MAX, jnp.int32)
        v, _ = jax.lax.fori_loop(0, 32, _vstep, (lo0, hi0))

        gt_v = keys > v
        cnt_gt = jnp.sum(gt_v.astype(jnp.int32), axis=1, keepdims=True)
        mrem = k - cnt_gt
        tie = keys == v

        def _istep(_, lh):
            lo, hi = lh
            mid = (lo + hi) >> 1
            cnt = jnp.sum((tie & (aidx <= mid)).astype(jnp.int32),
                          axis=1, keepdims=True)
            q = cnt >= mrem
            return jnp.where(q, lo, mid + 1), jnp.where(q, mid, hi)

        ilo = jnp.full((N, 1), -1, jnp.int32)
        ihi = jnp.full((N, 1), AP - 1, jnp.int32)
        _, t = jax.lax.fori_loop(0, 16, _istep, (ilo, ihi))

        mask = (gt_v | (tie & (aidx <= t)) | (pos > 0.0)) & valid
        return jnp.sum(jnp.where(mask, ce, 0.0))

    all_fast = jnp.all(np_rows * 4.0 >= float(A))
    cls = jax.lax.cond(all_fast, _all_negatives_selected, _search)
    npos = jnp.sum(np_rows)
    cls_ref[...] = (cls / npos).reshape(1, 1)
    box_ref[...] = (jnp.sum(sl1_ref[...]) / npos).reshape(1, 1)


def kernel(confidence, pred_anchor_deltas, labels, gt_boxes, anchors):
    N, A, C = confidence.shape
    IB = (A + _BA - 1) // _BA
    AP = IB * _BA

    lbl_i32 = labels.astype(jnp.int32)
    lbl = jnp.pad(lbl_i32, ((0, 0), (0, AP - A)))
    lbl = lbl.reshape(N, AP // 128, 128)

    sl1 = _make_box_sc(N, A)(
        jnp.transpose(pred_anchor_deltas, (0, 2, 1)).reshape(-1),
        jnp.transpose(gt_boxes, (0, 2, 1)).reshape(-1),
        anchors.T.reshape(-1),
        lbl_i32.reshape(-1),
    )

    ce, pos = pl.pallas_call(
        _pass1_body,
        grid=(N, IB),
        in_specs=[
            pl.BlockSpec((1, _BA, C), lambda n, i: (n, i, 0)),
            pl.BlockSpec((1, _GR, 128), lambda n, i: (n, i, 0)),
        ],
        out_specs=[
            pl.BlockSpec((1, _GR, 128), lambda n, i: (n, i, 0)),
            pl.BlockSpec((1, _GR, 128), lambda n, i: (n, i, 0)),
        ],
        out_shape=[
            jax.ShapeDtypeStruct((N, AP // 128, 128), jnp.float32),
            jax.ShapeDtypeStruct((N, AP // 128, 128), jnp.float32),
        ],
    )(confidence, lbl)

    cls_out, box_out = pl.pallas_call(
        functools.partial(_pass2_body, A=A),
        out_shape=[
            jax.ShapeDtypeStruct((1, 1), jnp.float32),
            jax.ShapeDtypeStruct((1, 1), jnp.float32),
        ],
    )(ce.reshape(N, AP), pos.reshape(N, AP), sl1)

    return (cls_out[0, 0], box_out[0, 0])

# --- scband reference (transcript-rebuilt; emitter-appended) ---
"""Pipeline reference for scband-uniform-loss-20401094656262 (READ-ONLY COPY).

The authoritative reference and input builder live on the scoring server;
editing this copy changes nothing except your own understanding.
"""

import jax, jax.numpy as jnp
import numpy as np
import math

_SCALE_CLAMP = math.log(1000.0 / 16.0)


def _apply_deltas(deltas, anchors):
    # YOLOFBox2BoxTransform with weights (1,1,1,1)
    widths = anchors[:, 2] - anchors[:, 0]
    heights = anchors[:, 3] - anchors[:, 1]
    ctr_x = anchors[:, 0] + 0.5 * widths
    ctr_y = anchors[:, 1] + 0.5 * heights
    dx = deltas[:, 0]
    dy = deltas[:, 1]
    dw = jnp.minimum(deltas[:, 2], _SCALE_CLAMP)
    dh = jnp.minimum(deltas[:, 3], _SCALE_CLAMP)
    pred_ctr_x = dx * widths + ctr_x
    pred_ctr_y = dy * heights + ctr_y
    pred_w = jnp.exp(dw) * widths
    pred_h = jnp.exp(dh) * heights
    pred_boxes = jnp.stack([
        pred_ctr_x - 0.5 * pred_w,
        pred_ctr_y - 0.5 * pred_h,
        pred_ctr_x + 0.5 * pred_w,
        pred_ctr_y + 0.5 * pred_h,
    ], axis=1)
    return pred_boxes


def setup_inputs(seed: int = 0) -> dict:
    key = jax.random.key(seed)
    k1, k2, k3, k4, k5, k6 = jax.random.split(key, 6)
    N, A, C = 32, 20000, 81
    confidence = jax.random.normal(k1, (N, A, C), dtype=jnp.float32)
    pred_anchor_deltas = jax.random.normal(k2, (N, A, 4), dtype=jnp.float32)
    labels = jax.random.randint(k3, (N, A), 0, 81, dtype=jnp.int64)
    gt_boxes = jax.random.uniform(k4, (N, A, 4), dtype=jnp.float32) * 512.0
    # valid anchor boxes [x1, y1, x2, y2]
    x1y1 = jax.random.uniform(k5, (A, 2), dtype=jnp.float32) * 448.0
    wh = jax.random.uniform(k6, (A, 2), dtype=jnp.float32) * 64.0 + 16.0
    anchors = jnp.concatenate([x1y1, x1y1 + wh], axis=1)
    return {
        "confidence": confidence,
        "pred_anchor_deltas": pred_anchor_deltas,
        "labels": labels,
        "gt_boxes": gt_boxes,
        "anchors": anchors,
    }


def reference(confidence, pred_anchor_deltas, labels, gt_boxes, anchors):
    N, A, C = confidence.shape
    deltas = pred_anchor_deltas.reshape(-1, 4)
    all_anchors = jnp.tile(anchors, (N, 1))
    pred_boxes = _apply_deltas(deltas, all_anchors).reshape(N, -1, 4)

    # hard negative mining (under no_grad in torch)
    conf_ng = jax.lax.stop_gradient(confidence)
    loss = -jax.nn.log_softmax(conf_ng, axis=2)[:, :, 0]
    pos_mask = labels > 0
    num_pos_row = jnp.sum(pos_mask.astype(jnp.int64), axis=1, keepdims=True)
    num_neg = num_pos_row * 3
    loss = jnp.where(pos_mask, -jnp.inf, loss)
    indexes = jnp.argsort(-loss, axis=1)   # descending sort
    orders = jnp.argsort(indexes, axis=1)
    neg_mask = orders < num_neg
    mask = pos_mask | neg_mask

    # masked cross-entropy with sum reduction (== F.cross_entropy(confidence[mask], labels[mask], size_average=False))
    logp = jax.nn.log_softmax(confidence, axis=2)
    ce = -jnp.take_along_axis(logp, labels[..., None], axis=2)[..., 0]
    classification_loss = jnp.sum(jnp.where(mask, ce, 0.0))

    # masked smooth L1 with sum reduction over positives
    diff = pred_boxes - gt_boxes
    ad = jnp.abs(diff)
    sl1 = jnp.where(ad < 1.0, 0.5 * diff * diff, ad - 0.5)
    smooth_l1_loss = jnp.sum(jnp.where(pos_mask[..., None], sl1, 0.0))

    num_pos = jnp.sum(pos_mask).astype(jnp.float32)
    return (classification_loss / num_pos, smooth_l1_loss / num_pos)

if __name__ == "__main__":
    import jax
    _d = setup_inputs()
    print(jax.jit(kernel)(*tuple(_d.values())))

</pallas_src>

<mosaic_0001>
#map = affine_map<(d0, d1) -> (0)>
#map1 = affine_map<(d0, d1) -> (0, 0)>
module attributes {stable_mosaic.version = 14 : i64} {
  func.func @box_sc(%arg0: i32, %arg1: i32, %arg2: memref<2560000xf32, #tpu.memory_space<hbm>>, %arg3: memref<2560000xf32, #tpu.memory_space<hbm>>, %arg4: memref<80000xf32, #tpu.memory_space<hbm>>, %arg5: memref<640000xi32, #tpu.memory_space<hbm>>, %arg6: memref<32x16xf32, #tpu.memory_space<hbm>>, %arg7: memref<4000xf32, #tpu.memory_space<vmem>>, %arg8: memref<4000xf32, #tpu.memory_space<vmem>>, %arg9: memref<4000xf32, #tpu.memory_space<vmem>>, %arg10: memref<4000xf32, #tpu.memory_space<vmem>>, %arg11: memref<4000xf32, #tpu.memory_space<vmem>>, %arg12: memref<4000xf32, #tpu.memory_space<vmem>>, %arg13: memref<4000xf32, #tpu.memory_space<vmem>>, %arg14: memref<4000xf32, #tpu.memory_space<vmem>>, %arg15: memref<4000xf32, #tpu.memory_space<vmem>>, %arg16: memref<4000xf32, #tpu.memory_space<vmem>>, %arg17: memref<4000xf32, #tpu.memory_space<vmem>>, %arg18: memref<4000xf32, #tpu.memory_space<vmem>>, %arg19: memref<4000xi32, #tpu.memory_space<vmem>>, %arg20: memref<16xf32, #tpu.memory_space<vmem>>, %arg21: memref<!tpu.dma_semaphore, #tpu.memory_space<semaphore_mem>>) attributes {dimension_semantics = [#tpu.dimension_semantics<core_parallel>, #tpu.dimension_semantics<subcore_parallel>], iteration_bounds = array<i64: 2, 16>, scalar_prefetch = 0 : i64, scratch_operands = 15 : i64, tpu.core_type = #tpu.core_type<sc_vector_subcore>, window_params = [{transform_indices = #map}, {transform_indices = #map}, {transform_indices = #map}, {transform_indices = #map}, {transform_indices = #map1}]} {
    %mul3A = arith.constant 2 : i32
    %mul3A_0 = arith.muli %arg1, %mul3A : i32
    %add3A = arith.addi %mul3A_0, %arg0 : i32
    %broadcast_in_dim3A = arith.constant 0.000000e+00 : f32
    %broadcast_in_dim3A_1 = vector.broadcast %broadcast_in_dim3A : f32 to vector<16xf32>
    %scan3A = arith.constant 0 : i32
    %scan3A_2 = arith.constant 5 : i32
    %scan3A_3 = arith.addi %scan3A, %scan3A_2 : i32
    %scan3A_4 = arith.constant 1 : i32
    %scan3A_5 = scf.for %scan3A_10 = %scan3A to %scan3A_3 step %scan3A_4 iter_args(%scan3A_11 = %broadcast_in_dim3A_1) -> (vector<16xf32>)  : i32 {
      %mul3A_12 = arith.constant 80000 : i32
      %mul3A_13 = arith.muli %add3A, %mul3A_12 : i32
      %mul3A_14 = arith.constant 4000 : i32
      %mul3A_15 = arith.muli %scan3A_10, %mul3A_14 : i32
      %add3A_16 = arith.addi %mul3A_13, %mul3A_15 : i32
      %mul3A_17 = arith.constant 4000 : i32
      %mul3A_18 = arith.muli %scan3A_10, %mul3A_17 : i32
      %add3A_19 = arith.constant 0 : i32
      %add3A_20 = arith.addi %add3A_16, %add3A_19 : i32
      %add3A_21 = arith.constant 20000 : i32
      %add3A_22 = arith.addi %add3A_16, %add3A_21 : i32
      %add3A_23 = arith.constant 40000 : i32
      %add3A_24 = arith.addi %add3A_16, %add3A_23 : i32
      %add3A_25 = arith.constant 60000 : i32
      %add3A_26 = arith.addi %add3A_16, %add3A_25 : i32
      %add3A_27 = arith.constant 0 : i32
      %add3A_28 = arith.addi %mul3A_18, %add3A_27 : i32
      %add3A_29 = arith.constant 20000 : i32
      %add3A_30 = arith.addi %mul3A_18, %add3A_29 : i32
      %add3A_31 = arith.constant 40000 : i32
      %add3A_32 = arith.addi %mul3A_18, %add3A_31 : i32
      %add3A_33 = arith.constant 60000 : i32
      %add3A_34 = arith.addi %mul3A_18, %add3A_33 : i32
      %add3A_35 = arith.constant 0 : i32
      %add3A_36 = arith.addi %add3A_16, %add3A_35 : i32
      %add3A_37 = arith.constant 20000 : i32
      %add3A_38 = arith.addi %add3A_16, %add3A_37 : i32
      %add3A_39 = arith.constant 40000 : i32
      %add3A_40 = arith.addi %add3A_16, %add3A_39 : i32
      %add3A_41 = arith.constant 60000 : i32
      %add3A_42 = arith.addi %add3A_16, %add3A_41 : i32
      %mul3A_43 = arith.constant 20000 : i32
      %mul3A_44 = arith.muli %add3A, %mul3A_43 : i32
      %mul3A_45 = arith.constant 4000 : i32
      %mul3A_46 = arith.muli %scan3A_10, %mul3A_45 : i32
      %add3A_47 = arith.addi %mul3A_44, %mul3A_46 : i32
      %dma_start3A = tpu.memref_slice %arg2[%add3A_20] : memref<2560000xf32, #tpu.memory_space<hbm>> -> memref<4000xf32, #tpu.memory_space<hbm>>
      %dma_start3A_48 = tpu.memref_slice %arg2[%add3A_20] : memref<2560000xf32, #tpu.memory_space<hbm>> -> memref<4000xf32, #tpu.memory_space<hbm>>
      tpu.enqueue_dma source(%dma_start3A_48 : memref<4000xf32, #tpu.memory_space<hbm>>) target(%arg7 : memref<4000xf32, #tpu.memory_space<vmem>>) target_semaphore(%arg21 : memref<!tpu.dma_semaphore, #tpu.memory_space<semaphore_mem>>)
      %dma_start3A_49 = tpu.memref_slice %arg2[%add3A_22] : memref<2560000xf32, #tpu.memory_space<hbm>> -> memref<4000xf32, #tpu.memory_space<hbm>>
      %dma_start3A_50 = tpu.memref_slice %arg2[%add3A_22] : memref<2560000xf32, #tpu.memory_space<hbm>> -> memref<4000xf32, #tpu.memory_space<hbm>>
      tpu.enqueue_dma source(%dma_start3A_50 : memref<4000xf32, #tpu.memory_space<hbm>>) target(%arg8 : memref<4000xf32, #tpu.memory_space<vmem>>) target_semaphore(%arg21 : memref<!tpu.dma_semaphore, #tpu.memory_space<semaphore_mem>>)
      %dma_start3A_51 = tpu.memref_slice %arg2[%add3A_24] : memref<2560000xf32, #tpu.memory_space<hbm>> -> memref<4000xf32, #tpu.memory_space<hbm>>
      %dma_start3A_52 = tpu.memref_slice %arg2[%add3A_24] : memref<2560000xf32, #tpu.memory_space<hbm>> -> memref<4000xf32, #tpu.memory_space<hbm>>
      tpu.enqueue_dma source(%dma_start3A_52 : memref<4000xf32, #tpu.memory_space<hbm>>) target(%arg9 : memref<4000xf32, #tpu.memory_space<vmem>>) target_semaphore(%arg21 : memref<!tpu.dma_semaphore, #tpu.memory_space<semaphore_mem>>)
      %dma_start3A_53 = tpu.memref_slice %arg2[%add3A_26] : memref<2560000xf32, #tpu.memory_space<hbm>> -> memref<4000xf32, #tpu.memory_space<hbm>>
      %dma_start3A_54 = tpu.memref_slice %arg2[%add3A_26] : memref<2560000xf32, #tpu.memory_space<hbm>> -> memref<4000xf32, #tpu.memory_space<hbm>>
      tpu.enqueue_dma source(%dma_start3A_54 : memref<4000xf32, #tpu.memory_space<hbm>>) target(%arg10 : memref<4000xf32, #tpu.memory_space<vmem>>) target_semaphore(%arg21 : memref<!tpu.dma_semaphore, #tpu.memory_space<semaphore_mem>>)
      %dma_start3A_55 = tpu.memref_slice %arg4[%add3A_28] : memref<80000xf32, #tpu.memory_space<hbm>> -> memref<4000xf32, #tpu.memory_space<hbm>>
      %dma_start3A_56 = tpu.memref_slice %arg4[%add3A_28] : memref<80000xf32, #tpu.memory_space<hbm>> -> memref<4000xf32, #tpu.memory_space<hbm>>
      tpu.enqueue_dma source(%dma_start3A_56 : memref<4000xf32, #tpu.memory_space<hbm>>) target(%arg11 : memref<4000xf32, #tpu.memory_space<vmem>>) target_semaphore(%arg21 : memref<!tpu.dma_semaphore, #tpu.memory_space<semaphore_mem>>)
      %dma_start3A_57 = tpu.memref_slice %arg4[%add3A_30] : memref<80000xf32, #tpu.memory_space<hbm>> -> memref<4000xf32, #tpu.memory_space<hbm>>
      %dma_start3A_58 = tpu.memref_slice %arg4[%add3A_30] : memref<80000xf32, #tpu.memory_space<hbm>> -> memref<4000xf32, #tpu.memory_space<hbm>>
      tpu.enqueue_dma source(%dma_start3A_58 : memref<4000xf32, #tpu.memory_space<hbm>>) target(%arg12 : memref<4000xf32, #tpu.memory_space<vmem>>) target_semaphore(%arg21 : memref<!tpu.dma_semaphore, #tpu.memory_space<semaphore_mem>>)
      %dma_start3A_59 = tpu.memref_slice %arg4[%add3A_32] : memref<80000xf32, #tpu.memory_space<hbm>> -> memref<4000xf32, #tpu.memory_space<hbm>>
      %dma_start3A_60 = tpu.memref_slice %arg4[%add3A_32] : memref<80000xf32, #tpu.memory_space<hbm>> -> memref<4000xf32, #tpu.memory_space<hbm>>
      tpu.enqueue_dma source(%dma_start3A_60 : memref<4000xf32, #tpu.memory_space<hbm>>) target(%arg13 : memref<4000xf32, #tpu.memory_space<vmem>>) target_semaphore(%arg21 : memref<!tpu.dma_semaphore, #tpu.memory_space<semaphore_mem>>)
      %dma_start3A_61 = tpu.memref_slice %arg4[%add3A_34] : memref<80000xf32, #tpu.memory_space<hbm>> -> memref<4000xf32, #tpu.memory_space<hbm>>
      %dma_start3A_62 = tpu.memref_slice %arg4[%add3A_34] : memref<80000xf32, #tpu.memory_space<hbm>> -> memref<4000xf32, #tpu.memory_space<hbm>>
      tpu.enqueue_dma source(%dma_start3A_62 : memref<4000xf32, #tpu.memory_space<hbm>>) target(%arg14 : memref<4000xf32, #tpu.memory_space<vmem>>) target_semaphore(%arg21 : memref<!tpu.dma_semaphore, #tpu.memory_space<semaphore_mem>>)
      %dma_start3A_63 = tpu.memref_slice %arg3[%add3A_36] : memref<2560000xf32, #tpu.memory_space<hbm>> -> memref<4000xf32, #tpu.memory_space<hbm>>
      %dma_start3A_64 = tpu.memref_slice %arg3[%add3A_36] : memref<2560000xf32, #tpu.memory_space<hbm>> -> memref<4000xf32, #tpu.memory_space<hbm>>
      tpu.enqueue_dma source(%dma_start3A_64 : memref<4000xf32, #tpu.memory_space<hbm>>) target(%arg15 : memref<4000xf32, #tpu.memory_space<vmem>>) target_semaphore(%arg21 : memref<!tpu.dma_semaphore, #tpu.memory_space<semaphore_mem>>)
      %dma_start3A_65 = tpu.memref_slice %arg3[%add3A_38] : memref<2560000xf32, #tpu.memory_space<hbm>> -> memref<4000xf32, #tpu.memory_space<hbm>>
      %dma_start3A_66 = tpu.memref_slice %arg3[%add3A_38] : memref<2560000xf32, #tpu.memory_space<hbm>> -> memref<4000xf32, #tpu.memory_space<hbm>>
      tpu.enqueue_dma source(%dma_start3A_66 : memref<4000xf32, #tpu.memory_space<hbm>>) target(%arg16 : memref<4000xf32, #tpu.memory_space<vmem>>) target_semaphore(%arg21 : memref<!tpu.dma_semaphore, #tpu.memory_space<semaphore_mem>>)
      %dma_start3A_67 = tpu.memref_slice %arg3[%add3A_40] : memref<2560000xf32, #tpu.memory_space<hbm>> -> memref<4000xf32, #tpu.memory_space<hbm>>
      %dma_start3A_68 = tpu.memref_slice %arg3[%add3A_40] : memref<2560000xf32, #tpu.memory_space<hbm>> -> memref<4000xf32, #tpu.memory_space<hbm>>
      tpu.enqueue_dma source(%dma_start3A_68 : memref<4000xf32, #tpu.memory_space<hbm>>) target(%arg17 : memref<4000xf32, #tpu.memory_space<vmem>>) target_semaphore(%arg21 : memref<!tpu.dma_semaphore, #tpu.memory_space<semaphore_mem>>)
      %dma_start3A_69 = tpu.memref_slice %arg3[%add3A_42] : memref<2560000xf32, #tpu.memory_space<hbm>> -> memref<4000xf32, #tpu.memory_space<hbm>>
      %dma_start3A_70 = tpu.memref_slice %arg3[%add3A_42] : memref<2560000xf32, #tpu.memory_space<hbm>> -> memref<4000xf32, #tpu.memory_space<hbm>>
      tpu.enqueue_dma source(%dma_start3A_70 : memref<4000xf32, #tpu.memory_space<hbm>>) target(%arg18 : memref<4000xf32, #tpu.memory_space<vmem>>) target_semaphore(%arg21 : memref<!tpu.dma_semaphore, #tpu.memory_space<semaphore_mem>>)
      %dma_start3A_71 = tpu.memref_slice %arg5[%add3A_47] : memref<640000xi32, #tpu.memory_space<hbm>> -> memref<4000xi32, #tpu.memory_space<hbm>>
      %dma_start3A_72 = tpu.memref_slice %arg5[%add3A_47] : memref<640000xi32, #tpu.memory_space<hbm>> -> memref<4000xi32, #tpu.memory_space<hbm>>
      tpu.enqueue_dma source(%dma_start3A_72 : memref<4000xi32, #tpu.memory_space<hbm>>) target(%arg19 : memref<4000xi32, #tpu.memory_space<vmem>>) target_semaphore(%arg21 : memref<!tpu.dma_semaphore, #tpu.memory_space<semaphore_mem>>)
      %dma_wait3A = tpu.memref_slice %arg2[%add3A_20] : memref<2560000xf32, #tpu.memory_space<hbm>> -> memref<4000xf32, #tpu.memory_space<hbm>>
      %dma_wait3A_73 = tpu.memref_slice %arg2[%add3A_20] : memref<2560000xf32, #tpu.memory_space<hbm>> -> memref<4000xf32, #tpu.memory_space<hbm>>
      tpu.wait_dma2 semaphore(%arg21 : memref<!tpu.dma_semaphore, #tpu.memory_space<semaphore_mem>>) src(%dma_wait3A_73 : memref<4000xf32, #tpu.memory_space<hbm>>) dst(%arg7 : memref<4000xf32, #tpu.memory_space<vmem>>)
      %dma_wait3A_74 = tpu.memref_slice %arg2[%add3A_22] : memref<2560000xf32, #tpu.memory_space<hbm>> -> memref<4000xf32, #tpu.memory_space<hbm>>
      %dma_wait3A_75 = tpu.memref_slice %arg2[%add3A_22] : memref<2560000xf32, #tpu.memory_space<hbm>> -> memref<4000xf32, #tpu.memory_space<hbm>>
      tpu.wait_dma2 semaphore(%arg21 : memref<!tpu.dma_semaphore, #tpu.memory_space<semaphore_mem>>) src(%dma_wait3A_75 : memref<4000xf32, #tpu.memory_space<hbm>>) dst(%arg8 : memref<4000xf32, #tpu.memory_space<vmem>>)
      %dma_wait3A_76 = tpu.memref_slice %arg2[%add3A_24] : memref<2560000xf32, #tpu.memory_space<hbm>> -> memref<4000xf32, #tpu.memory_space<hbm>>
      %dma_wait3A_77 = tpu.memref_slice %arg2[%add3A_24] : memref<2560000xf32, #tpu.memory_space<hbm>> -> memref<4000xf32, #tpu.memory_space<hbm>>
      tpu.wait_dma2 semaphore(%arg21 : memref<!tpu.dma_semaphore, #tpu.memory_space<semaphore_mem>>) src(%dma_wait3A_77 : memref<4000xf32, #tpu.memory_space<hbm>>) dst(%arg9 : memref<4000xf32, #tpu.memory_space<vmem>>)
      %dma_wait3A_78 = tpu.memref_slice %arg2[%add3A_26] : memref<2560000xf32, #tpu.memory_space<hbm>> -> memref<4000xf32, #tpu.memory_space<hbm>>
      %dma_wait3A_79 = tpu.memref_slice %arg2[%add3A_26] : memref<2560000xf32, #tpu.memory_space<hbm>> -> memref<4000xf32, #tpu.memory_space<hbm>>
      tpu.wait_dma2 semaphore(%arg21 : memref<!tpu.dma_semaphore, #tpu.memory_space<semaphore_mem>>) src(%dma_wait3A_79 : memref<4000xf32, #tpu.memory_space<hbm>>) dst(%arg10 : memref<4000xf32, #tpu.memory_space<vmem>>)
      %dma_wait3A_80 = tpu.memref_slice %arg4[%add3A_28] : memref<80000xf32, #tpu.memory_space<hbm>> -> memref<4000xf32, #tpu.memory_space<hbm>>
      %dma_wait3A_81 = tpu.memref_slice %arg4[%add3A_28] : memref<80000xf32, #tpu.memory_space<hbm>> -> memref<4000xf32, #tpu.memory_space<hbm>>
      tpu.wait_dma2 semaphore(%arg21 : memref<!tpu.dma_semaphore, #tpu.memory_space<semaphore_mem>>) src(%dma_wait3A_81 : memref<4000xf32, #tpu.memory_space<hbm>>) dst(%arg11 : memref<4000xf32, #tpu.memory_space<vmem>>)
      %dma_wait3A_82 = tpu.memref_slice %arg4[%add3A_30] : memref<80000xf32, #tpu.memory_space<hbm>> -> memref<4000xf32, #tpu.memory_space<hbm>>
      %dma_wait3A_83 = tpu.memref_slice %arg4[%add3A_30] : memref<80000xf32, #tpu.memory_space<hbm>> -> memref<4000xf32, #tpu.memory_space<hbm>>
      tpu.wait_dma2 semaphore(%arg21 : memref<!tpu.dma_semaphore, #tpu.memory_space<semaphore_mem>>) src(%dma_wait3A_83 : memref<4000xf32, #tpu.memory_space<hbm>>) dst(%arg12 : memref<4000xf32, #tpu.memory_space<vmem>>)
      %dma_wait3A_84 = tpu.memref_slice %arg4[%add3A_32] : memref<80000xf32, #tpu.memory_space<hbm>> -> memref<4000xf32, #tpu.memory_space<hbm>>
      %dma_wait3A_85 = tpu.memref_slice %arg4[%add3A_32] : memref<80000xf32, #tpu.memory_space<hbm>> -> memref<4000xf32, #tpu.memory_space<hbm>>
      tpu.wait_dma2 semaphore(%arg21 : memref<!tpu.dma_semaphore, #tpu.memory_space<semaphore_mem>>) src(%dma_wait3A_85 : memref<4000xf32, #tpu.memory_space<hbm>>) dst(%arg13 : memref<4000xf32, #tpu.memory_space<vmem>>)
      %dma_wait3A_86 = tpu.memref_slice %arg4[%add3A_34] : memref<80000xf32, #tpu.memory_space<hbm>> -> memref<4000xf32, #tpu.memory_space<hbm>>
      %dma_wait3A_87 = tpu.memref_slice %arg4[%add3A_34] : memref<80000xf32, #tpu.memory_space<hbm>> -> memref<4000xf32, #tpu.memory_space<hbm>>
      tpu.wait_dma2 semaphore(%arg21 : memref<!tpu.dma_semaphore, #tpu.memory_space<semaphore_mem>>) src(%dma_wait3A_87 : memref<4000xf32, #tpu.memory_space<hbm>>) dst(%arg14 : memref<4000xf32, #tpu.memory_space<vmem>>)
      %dma_wait3A_88 = tpu.memref_slice %arg3[%add3A_36] : memref<2560000xf32, #tpu.memory_space<hbm>> -> memref<4000xf32, #tpu.memory_space<hbm>>
      %dma_wait3A_89 = tpu.memref_slice %arg3[%add3A_36] : memref<2560000xf32, #tpu.memory_space<hbm>> -> memref<4000xf32, #tpu.memory_space<hbm>>
      tpu.wait_dma2 semaphore(%arg21 : memref<!tpu.dma_semaphore, #tpu.memory_space<semaphore_mem>>) src(%dma_wait3A_89 : memref<4000xf32, #tpu.memory_space<hbm>>) dst(%arg15 : memref<4000xf32, #tpu.memory_space<vmem>>)
      %dma_wait3A_90 = tpu.memref_slice %arg3[%add3A_38] : memref<2560000xf32, #tpu.memory_space<hbm>> -> memref<4000xf32, #tpu.memory_space<hbm>>
      %dma_wait3A_91 = tpu.memref_slice %arg3[%add3A_38] : memref<2560000xf32, #tpu.memory_space<hbm>> -> memref<4000xf32, #tpu.memory_space<hbm>>
      tpu.wait_dma2 semaphore(%arg21 : memref<!tpu.dma_semaphore, #tpu.memory_space<semaphore_mem>>) src(%dma_wait3A_91 : memref<4000xf32, #tpu.memory_space<hbm>>) dst(%arg16 : memref<4000xf32, #tpu.memory_space<vmem>>)
      %dma_wait3A_92 = tpu.memref_slice %arg3[%add3A_40] : memref<2560000xf32, #tpu.memory_space<hbm>> -> memref<4000xf32, #tpu.memory_space<hbm>>
      %dma_wait3A_93 = tpu.memref_slice %arg3[%add3A_40] : memref<2560000xf32, #tpu.memory_space<hbm>> -> memref<4000xf32, #tpu.memory_space<hbm>>
      tpu.wait_dma2 semaphore(%arg21 : memref<!tpu.dma_semaphore, #tpu.memory_space<semaphore_mem>>) src(%dma_wait3A_93 : memref<4000xf32, #tpu.memory_space<hbm>>) dst(%arg17 : memref<4000xf32, #tpu.memory_space<vmem>>)
      %dma_wait3A_94 = tpu.memref_slice %arg3[%add3A_42] : memref<2560000xf32, #tpu.memory_space<hbm>> -> memref<4000xf32, #tpu.memory_space<hbm>>
      %dma_wait3A_95 = tpu.memref_slice %arg3[%add3A_42] : memref<2560000xf32, #tpu.memory_space<hbm>> -> memref<4000xf32, #tpu.memory_space<hbm>>
      tpu.wait_dma2 semaphore(%arg21 : memref<!tpu.dma_semaphore, #tpu.memory_space<semaphore_mem>>) src(%dma_wait3A_95 : memref<4000xf32, #tpu.memory_space<hbm>>) dst(%arg18 : memref<4000xf32, #tpu.memory_space<vmem>>)
      %dma_wait3A_96 = tpu.memref_slice %arg5[%add3A_47] : memref<640000xi32, #tpu.memory_space<hbm>> -> memref<4000xi32, #tpu.memory_space<hbm>>
      %dma_wait3A_97 = tpu.memref_slice %arg5[%add3A_47] : memref<640000xi32, #tpu.memory_space<hbm>> -> memref<4000xi32, #tpu.memory_space<hbm>>
      tpu.wait_dma2 semaphore(%arg21 : memref<!tpu.dma_semaphore, #tpu.memory_space<semaphore_mem>>) src(%dma_wait3A_97 : memref<4000xi32, #tpu.memory_space<hbm>>) dst(%arg19 : memref<4000xi32, #tpu.memory_space<vmem>>)
      %scan3A_98 = arith.constant 0 : i32
      %scan3A_99 = arith.constant 250 : i32
      %scan3A_100 = arith.addi %scan3A_98, %scan3A_99 : i32
      %scan3A_101 = arith.constant 1 : i32
      %scan3A_102 = scf.for %scan3A_104 = %scan3A_98 to %scan3A_100 step %scan3A_101 iter_args(%scan3A_105 = %scan3A_11) -> (vector<16xf32>)  : i32 {
        %mul3A_106 = arith.constant 16 : i32
        %mul3A_107 = arith.muli %scan3A_104, %mul3A_106 : i32
        %get3A = arith.index_cast %mul3A_107 : i32 to index
        %get3A_108 = tpu.vector_load %arg19[%get3A] {strides = array<i32>} : memref<4000xi32, #tpu.memory_space<vmem>>, vector<16xi32>,
        %get3A_109 = vector.shape_cast %get3A_108 : vector<16xi32> to vector<16xi32>
        %get3A_110 = arith.index_cast %mul3A_107 : i32 to index
        %get3A_111 = tpu.vector_load %arg11[%get3A_110] {strides = array<i32>} : memref<4000xf32, #tpu.memory_space<vmem>>, vector<16xf32>,
        %get3A_112 = vector.shape_cast %get3A_111 : vector<16xf32> to vector<16xf32>
        %get3A_113 = arith.index_cast %mul3A_107 : i32 to index
        %get3A_114 = tpu.vector_load %arg12[%get3A_113] {strides = array<i32>} : memref<4000xf32, #tpu.memory_space<vmem>>, vector<16xf32>,
        %get3A_115 = vector.shape_cast %get3A_114 : vector<16xf32> to vector<16xf32>
        %get3A_116 = arith.index_cast %mul3A_107 : i32 to index
        %get3A_117 = tpu.vector_load %arg13[%get3A_116] {strides = array<i32>} : memref<4000xf32, #tpu.memory_space<vmem>>, vector<16xf32>,
        %get3A_118 = vector.shape_cast %get3A_117 : vector<16xf32> to vector<16xf32>
        %sub3A = arith.subf %get3A_118, %get3A_112 : vector<16xf32>
        %get3A_119 = arith.index_cast %mul3A_107 : i32 to index
        %get3A_120 = tpu.vector_load %arg14[%get3A_119] {strides = array<i32>} : memref<4000xf32, #tpu.memory_space<vmem>>, vector<16xf32>,
        %get3A_121 = vector.shape_cast %get3A_120 : vector<16xf32> to vector<16xf32>
        %sub3A_122 = arith.subf %get3A_121, %get3A_115 : vector<16xf32>
        %get3A_123 = arith.index_cast %mul3A_107 : i32 to index
        %get3A_124 = tpu.vector_load %arg7[%get3A_123] {strides = array<i32>} : memref<4000xf32, #tpu.memory_space<vmem>>, vector<16xf32>,
        %get3A_125 = vector.shape_cast %get3A_124 : vector<16xf32> to vector<16xf32>
        %mul3A_126 = arith.mulf %get3A_125, %sub3A : vector<16xf32>
        %mul3A_127 = arith.constant 5.000000e-01 : f32
        %mul3A_128 = vector.broadcast %mul3A_127 : f32 to vector<16xf32>
        %mul3A_129 = arith.mulf %mul3A_128, %sub3A : vector<16xf32>
        %add3A_130 = arith.addf %get3A_112, %mul3A_129 : vector<16xf32>
        %add3A_131 = arith.addf %mul3A_126, %add3A_130 : vector<16xf32>
        %get3A_132 = arith.index_cast %mul3A_107 : i32 to index
        %get3A_133 = tpu.vector_load %arg8[%get3A_132] {strides = array<i32>} : memref<4000xf32, #tpu.memory_space<vmem>>, vector<16xf32>,
        %get3A_134 = vector.shape_cast %get3A_133 : vector<16xf32> to vector<16xf32>
        %mul3A_135 = arith.mulf %get3A_134, %sub3A_122 : vector<16xf32>
        %mul3A_136 = arith.constant 5.000000e-01 : f32
        %mul3A_137 = vector.broadcast %mul3A_136 : f32 to vector<16xf32>
        %mul3A_138 = arith.mulf %mul3A_137, %sub3A_122 : vector<16xf32>
        %add3A_139 = arith.addf %get3A_115, %mul3A_138 : vector<16xf32>
        %add3A_140 = arith.addf %mul3A_135, %add3A_139 : vector<16xf32>
        %get3A_141 = arith.index_cast %mul3A_107 : i32 to index
        %get3A_142 = tpu.vector_load %arg9[%get3A_141] {strides = array<i32>} : memref<4000xf32, #tpu.memory_space<vmem>>, vector<16xf32>,
        %get3A_143 = vector.shape_cast %get3A_142 : vector<16xf32> to vector<16xf32>
        %min3A = arith.constant 4.13516665 : f32
        %min3A_144 = vector.broadcast %min3A : f32 to vector<16xf32>
        %min3A_145 = arith.minimumf %get3A_143, %min3A_144 : vector<16xf32>
        %exp3A = math.exp %min3A_145 : vector<16xf32>
        %mul3A_146 = arith.mulf %exp3A, %sub3A : vector<16xf32>
        %get3A_147 = arith.index_cast %mul3A_107 : i32 to index
        %get3A_148 = tpu.vector_load %arg10[%get3A_147] {strides = array<i32>} : memref<4000xf32, #tpu.memory_space<vmem>>, vector<16xf32>,
        %get3A_149 = vector.shape_cast %get3A_148 : vector<16xf32> to vector<16xf32>
        %min3A_150 = arith.constant 4.13516665 : f32
        %min3A_151 = vector.broadcast %min3A_150 : f32 to vector<16xf32>
        %min3A_152 = arith.minimumf %get3A_149, %min3A_151 : vector<16xf32>
        %exp3A_153 = math.exp %min3A_152 : vector<16xf32>
        %mul3A_154 = arith.mulf %exp3A_153, %sub3A_122 : vector<16xf32>
        %broadcast_in_dim3A_155 = arith.constant 0.000000e+00 : f32
        %broadcast_in_dim3A_156 = vector.broadcast %broadcast_in_dim3A_155 : f32 to vector<16xf32>
        %mul3A_157 = arith.constant 5.000000e-01 : f32
        %mul3A_158 = vector.broadcast %mul3A_157 : f32 to vector<16xf32>
        %mul3A_159 = arith.mulf %mul3A_158, %mul3A_146 : vector<16xf32>
        %sub3A_160 = arith.subf %add3A_131, %mul3A_159 : vector<16xf32>
        %mul3A_161 = arith.constant 5.000000e-01 : f32
        %mul3A_162 = vector.broadcast %mul3A_161 : f32 to vector<16xf32>
        %mul3A_163 = arith.mulf %mul3A_162, %mul3A_154 : vector<16xf32>
        %sub3A_164 = arith.subf %add3A_140, %mul3A_163 : vector<16xf32>
        %mul3A_165 = arith.constant 5.000000e-01 : f32
        %mul3A_166 = vector.broadcast %mul3A_165 : f32 to vector<16xf32>
        %mul3A_167 = arith.mulf %mul3A_166, %mul3A_146 : vector<16xf32>
        %add3A_168 = arith.addf %add3A_131, %mul3A_167 : vector<16xf32>
        %mul3A_169 = arith.constant 5.000000e-01 : f32
        %mul3A_170 = vector.broadcast %mul3A_169 : f32 to vector<16xf32>
        %mul3A_171 = arith.mulf %mul3A_170, %mul3A_154 : vector<16xf32>
        %add3A_172 = arith.addf %add3A_140, %mul3A_171 : vector<16xf32>
        %get3A_173 = arith.index_cast %mul3A_107 : i32 to index
        %get3A_174 = tpu.vector_load %arg15[%get3A_173] {strides = array<i32>} : memref<4000xf32, #tpu.memory_space<vmem>>, vector<16xf32>,
        %get3A_175 = vector.shape_cast %get3A_174 : vector<16xf32> to vector<16xf32>
        %sub3A_176 = arith.subf %sub3A_160, %get3A_175 : vector<16xf32>
        %abs3A = math.absf %sub3A_176 : vector<16xf32>
        %lt3A = arith.constant 1.000000e+00 : f32
        %lt3A_177 = vector.broadcast %lt3A : f32 to vector<16xf32>
        %lt3A_178 = arith.cmpf olt, %abs3A, %lt3A_177 : vector<16xf32>
        %mul3A_179 = arith.constant 5.000000e-01 : f32
        %mul3A_180 = vector.broadcast %mul3A_179 : f32 to vector<16xf32>
        %mul3A_181 = arith.mulf %mul3A_180, %sub3A_176 : vector<16xf32>
        %mul3A_182 = arith.mulf %mul3A_181, %sub3A_176 : vector<16xf32>
        %sub3A_183 = arith.constant 5.000000e-01 : f32
        %sub3A_184 = vector.broadcast %sub3A_183 : f32 to vector<16xf32>
        %sub3A_185 = arith.subf %abs3A, %sub3A_184 : vector<16xf32>
        %select_n3A = arith.select %lt3A_178, %mul3A_182, %sub3A_185 : vector<16xi1>, vector<16xf32>
        %add3A_186 = arith.addf %broadcast_in_dim3A_156, %select_n3A : vector<16xf32>
        %get3A_187 = arith.index_cast %mul3A_107 : i32 to index
        %get3A_188 = tpu.vector_load %arg16[%get3A_187] {strides = array<i32>} : memref<4000xf32, #tpu.memory_space<vmem>>, vector<16xf32>,
        %get3A_189 = vector.shape_cast %get3A_188 : vector<16xf32> to vector<16xf32>
        %sub3A_190 = arith.subf %sub3A_164, %get3A_189 : vector<16xf32>
        %abs3A_191 = math.absf %sub3A_190 : vector<16xf32>
        %lt3A_192 = arith.constant 1.000000e+00 : f32
        %lt3A_193 = vector.broadcast %lt3A_192 : f32 to vector<16xf32>
        %lt3A_194 = arith.cmpf olt, %abs3A_191, %lt3A_193 : vector<16xf32>
        %mul3A_195 = arith.constant 5.000000e-01 : f32
        %mul3A_196 = vector.broadcast %mul3A_195 : f32 to vector<16xf32>
        %mul3A_197 = arith.mulf %mul3A_196, %sub3A_190 : vector<16xf32>
        %mul3A_198 = arith.mulf %mul3A_197, %sub3A_190 : vector<16xf32>
        %sub3A_199 = arith.constant 5.000000e-01 : f32
        %sub3A_200 = vector.broadcast %sub3A_199 : f32 to vector<16xf32>
        %sub3A_201 = arith.subf %abs3A_191, %sub3A_200 : vector<16xf32>
        %select_n3A_202 = arith.select %lt3A_194, %mul3A_198, %sub3A_201 : vector<16xi1>, vector<16xf32>
        %add3A_203 = arith.addf %add3A_186, %select_n3A_202 : vector<16xf32>
        %get3A_204 = arith.index_cast %mul3A_107 : i32 to index
        %get3A_205 = tpu.vector_load %arg17[%get3A_204] {strides = array<i32>} : memref<4000xf32, #tpu.memory_space<vmem>>, vector<16xf32>,
        %get3A_206 = vector.shape_cast %get3A_205 : vector<16xf32> to vector<16xf32>
        %sub3A_207 = arith.subf %add3A_168, %get3A_206 : vector<16xf32>
        %abs3A_208 = math.absf %sub3A_207 : vector<16xf32>
        %lt3A_209 = arith.constant 1.000000e+00 : f32
        %lt3A_210 = vector.broadcast %lt3A_209 : f32 to vector<16xf32>
        %lt3A_211 = arith.cmpf olt, %abs3A_208, %lt3A_210 : vector<16xf32>
        %mul3A_212 = arith.constant 5.000000e-01 : f32
        %mul3A_213 = vector.broadcast %mul3A_212 : f32 to vector<16xf32>
        %mul3A_214 = arith.mulf %mul3A_213, %sub3A_207 : vector<16xf32>
        %mul3A_215 = arith.mulf %mul3A_214, %sub3A_207 : vector<16xf32>
        %sub3A_216 = arith.constant 5.000000e-01 : f32
        %sub3A_217 = vector.broadcast %sub3A_216 : f32 to vector<16xf32>
        %sub3A_218 = arith.subf %abs3A_208, %sub3A_217 : vector<16xf32>
        %select_n3A_219 = arith.select %lt3A_211, %mul3A_215, %sub3A_218 : vector<16xi1>, vector<16xf32>
        %add3A_220 = arith.addf %add3A_203, %select_n3A_219 : vector<16xf32>
        %get3A_221 = arith.index_cast %mul3A_107 : i32 to index
        %get3A_222 = tpu.vector_load %arg18[%get3A_221] {strides = array<i32>} : memref<4000xf32, #tpu.memory_space<vmem>>, vector<16xf32>,
        %get3A_223 = vector.shape_cast %get3A_222 : vector<16xf32> to vector<16xf32>
        %sub3A_224 = arith.subf %add3A_172, %get3A_223 : vector<16xf32>
        %abs3A_225 = math.absf %sub3A_224 : vector<16xf32>
        %lt3A_226 = arith.constant 1.000000e+00 : f32
        %lt3A_227 = vector.broadcast %lt3A_226 : f32 to vector<16xf32>
        %lt3A_228 = arith.cmpf olt, %abs3A_225, %lt3A_227 : vector<16xf32>
        %mul3A_229 = arith.constant 5.000000e-01 : f32
        %mul3A_230 = vector.broadcast %mul3A_229 : f32 to vector<16xf32>
        %mul3A_231 = arith.mulf %mul3A_230, %sub3A_224 : vector<16xf32>
        %mul3A_232 = arith.mulf %mul3A_231, %sub3A_224 : vector<16xf32>
        %sub3A_233 = arith.constant 5.000000e-01 : f32
        %sub3A_234 = vector.broadcast %sub3A_233 : f32 to vector<16xf32>
        %sub3A_235 = arith.subf %abs3A_225, %sub3A_234 : vector<16xf32>
        %select_n3A_236 = arith.select %lt3A_228, %mul3A_232, %sub3A_235 : vector<16xi1>, vector<16xf32>
        %add3A_237 = arith.addf %add3A_220, %select_n3A_236 : vector<16xf32>
        %gt3A = arith.constant 0 : i32
        %gt3A_238 = vector.broadcast %gt3A : i32 to vector<16xi32>
        %gt3A_239 = arith.cmpi sgt, %get3A_109, %gt3A_238 : vector<16xi32>
        %jit3A = arith.constant 0.000000e+00 : f32
        %broadcast_in_dim3A_240 = vector.broadcast %jit3A : f32 to vector<16xf32>
        %select_n3A_241 = arith.select %gt3A_239, %add3A_237, %broadcast_in_dim3A_240 : vector<16xi1>, vector<16xf32>
        %add3A_242 = arith.addf %scan3A_105, %select_n3A_241 : vector<16xf32>
        scf.yield %add3A_242 : vector<16xf32>
      }
      %scan3A_103 = arith.constant 250 : i32
      scf.yield %scan3A_102 : vector<16xf32>
    }
    %scan3A_6 = arith.constant 5 : i32
    %swap3A = arith.constant 0 : index
    %swap3A_7 = tpu.vector_load %arg20[%swap3A] {strides = array<i32>} : memref<16xf32, #tpu.memory_space<vmem>>, vector<16xf32>,
    %swap3A_8 = vector.shape_cast %swap3A_7 : vector<16xf32> to vector<16xf32>
    %swap3A_9 = vector.shape_cast %scan3A_5 : vector<16xf32> to vector<16xf32>
    tpu.vector_store %arg20[%swap3A], %swap3A_9 {strides = array<i32>} : memref<16xf32, #tpu.memory_space<vmem>>, vector<16xf32>,
    "tpu.region"() ({
      %run_scoped3A = tpu.sem_alloc : memref<!tpu.dma_semaphore, #tpu.memory_space<semaphore_mem>>
      %dma_start3A = arith.constant 0 : i32
      %dma_start3A_10 = tpu.memref_slice %arg6[%add3A, %dma_start3A] : memref<32x16xf32, #tpu.memory_space<hbm>> -> memref<1x16xf32, #tpu.memory_space<hbm>>
      %dma_start3A_11 = tpu.memref_squeeze %dma_start3A_10 : memref<1x16xf32, #tpu.memory_space<hbm>> -> memref<16xf32, #tpu.memory_space<hbm>>
      %dma_start3A_12 = arith.constant 0 : i32
      %dma_start3A_13 = tpu.memref_slice %arg6[%add3A, %dma_start3A_12] : memref<32x16xf32, #tpu.memory_space<hbm>> -> memref<1x16xf32, #tpu.memory_space<hbm>>
      %dma_start3A_14 = tpu.memref_squeeze %dma_start3A_13 : memref<1x16xf32, #tpu.memory_space<hbm>> -> memref<16xf32, #tpu.memory_space<hbm>>
      tpu.enqueue_dma source(%arg20 : memref<16xf32, #tpu.memory_space<vmem>>) target(%dma_start3A_14 : memref<16xf32, #tpu.memory_space<hbm>>) target_semaphore(%run_scoped3A : memref<!tpu.dma_semaphore, #tpu.memory_space<semaphore_mem>>)
      %dma_wait3A = arith.constant 0 : i32
      %dma_wait3A_15 = tpu.memref_slice %arg6[%add3A, %dma_wait3A] : memref<32x16xf32, #tpu.memory_space<hbm>> -> memref<1x16xf32, #tpu.memory_space<hbm>>
      %dma_wait3A_16 = tpu.memref_squeeze %dma_wait3A_15 : memref<1x16xf32, #tpu.memory_space<hbm>> -> memref<16xf32, #tpu.memory_space<hbm>>
      %dma_wait3A_17 = arith.constant 0 : i32
      %dma_wait3A_18 = tpu.memref_slice %arg6[%add3A, %dma_wait3A_17] : memref<32x16xf32, #tpu.memory_space<hbm>> -> memref<1x16xf32, #tpu.memory_space<hbm>>
      %dma_wait3A_19 = tpu.memref_squeeze %dma_wait3A_18 : memref<1x16xf32, #tpu.memory_space<hbm>> -> memref<16xf32, #tpu.memory_space<hbm>>
      tpu.wait_dma2 semaphore(%run_scoped3A : memref<!tpu.dma_semaphore, #tpu.memory_space<semaphore_mem>>) src(%arg20 : memref<16xf32, #tpu.memory_space<vmem>>) dst(%dma_wait3A_19 : memref<16xf32, #tpu.memory_space<hbm>>)
      tpu.yield
    }) : () -> ()
    return
  }
}

module attributes {stable_mosaic.version = 14 : i64} {
  func.func @_pass1_body(%arg0: i32, %arg1: i32, %arg2: memref<1x4096x81xf32, #tpu.memory_space<vmem>>, %arg3: memref<1x32x128xi32, #tpu.memory_space<vmem>>, %arg4: memref<1x32x128xf32, #tpu.memory_space<vmem>>, %arg5: memref<1x32x128xf32, #tpu.memory_space<vmem>>) attributes {dimension_semantics = [#tpu.dimension_semantics<arbitrary>, #tpu.dimension_semantics<arbitrary>], iteration_bounds = array<i64: 32, 5>, scalar_prefetch = 0 : i64, scratch_operands = 0 : i64, tpu.core_type = #tpu.core_type<tc>, window_params = [{transform_indices = @transform_0, window_bounds = array<i64: 1, 4096, 81>}, {transform_indices = @transform_1, window_bounds = array<i64: 1, 32, 128>}, {transform_indices = @transform_2, window_bounds = array<i64: 1, 32, 128>}, {transform_indices = @transform_3, window_bounds = array<i64: 1, 32, 128>}]} {
    %get3A = arith.constant 0 : index
    %get3A_0 = arith.constant 0 : index
    %get3A_1 = arith.constant 0 : index
    %get3A_2 = vector.load %arg2[%get3A, %get3A_0, %get3A_1] : memref<1x4096x81xf32, #tpu.memory_space<vmem>>, vector<1x4096x81xf32>
    %get3A_3 = vector.shape_cast %get3A_2 : vector<1x4096x81xf32> to vector<4096x81xf32>
    %reshape3A = vector.shape_cast %get3A_3 : vector<4096x81xf32> to vector<32x128x81xf32>
    %get3A_4 = arith.constant 0 : index
    %get3A_5 = arith.constant 0 : index
    %get3A_6 = arith.constant 0 : index
    %get3A_7 = vector.load %arg3[%get3A_4, %get3A_5, %get3A_6] : memref<1x32x128xi32, #tpu.memory_space<vmem>>, vector<1x32x128xi32>
    %get3A_8 = vector.shape_cast %get3A_7 : vector<1x32x128xi32> to vector<32x128xi32>
    %iota3A = tpu.iota {dimensions = array<i32: 2>} : vector<32x128x81xi32>
    %exp3A = math.exp %reshape3A : vector<32x128x81xf32>
    %reduce_sum3A = arith.constant dense<0.000000e+00> : vector<32x128xf32>
    %reduce_sum3A_9 = vector.multi_reduction <add>, %exp3A, %reduce_sum3A [2] : vector<32x128x81xf32> to vector<32x128xf32>
    %log3A = math.log %reduce_sum3A_9 : vector<32x128xf32>
    %broadcast_in_dim3A = vector.shape_cast %get3A_8 : vector<32x128xi32> to vector<32x128x1xi32>
    %eq3A = vector.broadcast %broadcast_in_dim3A : vector<32x128x1xi32> to vector<32x128x81xi32>
    %eq3A_10 = arith.cmpi eq, %iota3A, %eq3A : vector<32x128x81xi32>
    %jit3A = arith.constant 0.000000e+00 : f32
    %broadcast_in_dim3A_11 = vector.broadcast %jit3A : f32 to vector<32x128x81xf32>
    %select_n3A = arith.select %eq3A_10, %reshape3A, %broadcast_in_dim3A_11 : vector<32x128x81xi1>, vector<32x128x81xf32>
    %reduce_sum3A_12 = arith.constant dense<0.000000e+00> : vector<32x128xf32>
    %reduce_sum3A_13 = vector.multi_reduction <add>, %select_n3A, %reduce_sum3A_12 [2] : vector<32x128x81xf32> to vector<32x128xf32>
    %sub3A = arith.subf %log3A, %reduce_sum3A_13 : vector<32x128xf32>
    %swap3A = arith.constant 0 : index
    %swap3A_14 = arith.constant 0 : index
    %swap3A_15 = arith.constant 0 : index
    %swap3A_16 = vector.load %arg4[%swap3A, %swap3A_14, %swap3A_15] : memref<1x32x128xf32, #tpu.memory_space<vmem>>, vector<1x32x128xf32>
    %swap3A_17 = vector.shape_cast %swap3A_16 : vector<1x32x128xf32> to vector<32x128xf32>
    %swap3A_18 = vector.shape_cast %sub3A : vector<32x128xf32> to vector<1x32x128xf32>
    tpu.vector_store %arg4[%swap3A, %swap3A_14, %swap3A_15], %swap3A_18 {strides = array<i32>} : memref<1x32x128xf32, #tpu.memory_space<vmem>>, vector<1x32x128xf32>,
    %gt3A = arith.constant 0 : i32
    %gt3A_19 = vector.broadcast %gt3A : i32 to vector<32x128xi32>
    %gt3A_20 = arith.cmpi sgt, %get3A_8, %gt3A_19 : vector<32x128xi32>
    %convert_element_type3A = arith.extui %gt3A_20 : vector<32x128xi1> to vector<32x128xi32>
    %convert_element_type3A_21 = arith.sitofp %convert_element_type3A : vector<32x128xi32> to vector<32x128xf32>
    %swap3A_22 = arith.constant 0 : index
    %swap3A_23 = arith.constant 0 : index
    %swap3A_24 = arith.constant 0 : index
    %swap3A_25 = vector.load %arg5[%swap3A_22, %swap3A_23, %swap3A_24] : memref<1x32x128xf32, #tpu.memory_space<vmem>>, vector<1x32x128xf32>
    %swap3A_26 = vector.shape_cast %swap3A_25 : vector<1x32x128xf32> to vector<32x128xf32>
    %swap3A_27 = vector.shape_cast %convert_element_type3A_21 : vector<32x128xf32> to vector<1x32x128xf32>
    tpu.vector_store %arg5[%swap3A_22, %swap3A_23, %swap3A_24], %swap3A_27 {strides = array<i32>} : memref<1x32x128xf32, #tpu.memory_space<vmem>>, vector<1x32x128xf32>,
    return
  }
  func.func @transform_0(%arg0: i32, %arg1: i32) -> (i32, i32, i32) {
    %c0_i32 = arith.constant 0 : i32
    %c0_i32_0 = arith.constant 0 : i32
    return %arg0, %arg1, %c0_i32 : i32, i32, i32
  }
  func.func @transform_1(%arg0: i32, %arg1: i32) -> (i32, i32, i32) {
    %c0_i32 = arith.constant 0 : i32
    %c0_i32_0 = arith.constant 0 : i32
    return %arg0, %arg1, %c0_i32 : i32, i32, i32
  }
  func.func @transform_2(%arg0: i32, %arg1: i32) -> (i32, i32, i32) {
    %c0_i32 = arith.constant 0 : i32
    %c0_i32_0 = arith.constant 0 : i32
    return %arg0, %arg1, %c0_i32 : i32, i32, i32
  }
  func.func @transform_3(%arg0: i32, %arg1: i32) -> (i32, i32, i32) {
    %c0_i32 = arith.constant 0 : i32
    %c0_i32_0 = arith.constant 0 : i32
    return %arg0, %arg1, %c0_i32 : i32, i32, i32
  }
}

module attributes {stable_mosaic.version = 14 : i64} {
  func.func @_pass2_body(%arg0: memref<32x20480xf32, #tpu.memory_space<vmem>>, %arg1: memref<32x20480xf32, #tpu.memory_space<vmem>>, %arg2: memref<32x16xf32, #tpu.memory_space<vmem>>, %arg3: memref<1x1xf32, #tpu.memory_space<vmem>>, %arg4: memref<1x1xf32, #tpu.memory_space<vmem>>) attributes {dimension_semantics = [], scalar_prefetch = 0 : i64, scratch_operands = 0 : i64, tpu.core_type = #tpu.core_type<tc>} {
    %get3A = arith.constant 0 : index
    %get3A_0 = arith.constant 0 : index
    %get3A_1 = vector.load %arg0[%get3A, %get3A_0] : memref<32x20480xf32, #tpu.memory_space<vmem>>, vector<32x20480xf32>
    %get3A_2 = arith.constant 0 : index
    %get3A_3 = arith.constant 0 : index
    %get3A_4 = vector.load %arg1[%get3A_2, %get3A_3] : memref<32x20480xf32, #tpu.memory_space<vmem>>, vector<32x20480xf32>
    %iota3A = tpu.iota {dimensions = array<i32: 1>} : vector<32x20480xi32>
    %lt3A = arith.constant 20000 : i32
    %lt3A_5 = vector.broadcast %lt3A : i32 to vector<32x20480xi32>
    %lt3A_6 = arith.cmpi slt, %iota3A, %lt3A_5 : vector<32x20480xi32>
    %reduce_sum3A = arith.constant dense<0.000000e+00> : vector<32xf32>
    %reduce_sum3A_7 = vector.multi_reduction <add>, %get3A_4, %reduce_sum3A [1] : vector<32x20480xf32> to vector<32xf32>
    %broadcast_in_dim3A = vector.shape_cast %reduce_sum3A_7 : vector<32xf32> to vector<32x1xf32>
    %mul3A = arith.constant 4.000000e+00 : f32
    %mul3A_8 = vector.broadcast %mul3A : f32 to vector<32x1xf32>
    %mul3A_9 = arith.mulf %broadcast_in_dim3A, %mul3A_8 : vector<32x1xf32>
    %ge3A = arith.constant 2.000000e+04 : f32
    %ge3A_10 = vector.broadcast %ge3A : f32 to vector<32x1xf32>
    %ge3A_11 = arith.cmpf oge, %mul3A_9, %ge3A_10 : vector<32x1xf32>
    %reduce_and3A = arith.constant 1.000000e+00 : f32
    %reduce_and3A_12 = arith.constant 0.000000e+00 : f32
    %reduce_and3A_13 = vector.broadcast %reduce_and3A : f32 to vector<32x1xf32>
    %reduce_and3A_14 = vector.broadcast %reduce_and3A_12 : f32 to vector<32x1xf32>
    %reduce_and3A_15 = arith.select %ge3A_11, %reduce_and3A_13, %reduce_and3A_14 : vector<32x1xi1>, vector<32x1xf32>
    %reduce_and3A_16 = vector.shape_cast %reduce_and3A_15 : vector<32x1xf32> to vector<1x32x1xf32>
    %reduce_and3A_17 = arith.constant dense<0x7F800000> : vector<1xf32>
    %reduce_and3A_18 = vector.multi_reduction <minimumf>, %reduce_and3A_16, %reduce_and3A_17 [1, 2] : vector<1x32x1xf32> to vector<1xf32>
    %reduce_and3A_19 = vector.shape_cast %reduce_and3A_18 : vector<1xf32> to vector<1x1x1xf32>
    %reduce_and3A_20 = vector.extract %reduce_and3A_19[0, 0, 0] : f32 from vector<1x1x1xf32>
    %reduce_and3A_21 = arith.constant 0.000000e+00 : f32
    %reduce_and3A_22 = arith.cmpf ogt, %reduce_and3A_20, %reduce_and3A_21 : f32
    %convert_element_type3A = arith.extui %reduce_and3A_22 : i1 to i32
    %cond3A = arith.constant 0 : i32
    %cond3A_23 = arith.cmpi ne, %convert_element_type3A, %cond3A : i32
    %cond3A_24 = scf.if %cond3A_23 -> (f32) {
      %jit3A = arith.constant 0.000000e+00 : f32
      %broadcast_in_dim3A_45 = vector.broadcast %jit3A : f32 to vector<32x20480xf32>
      %select_n3A = arith.select %lt3A_6, %get3A_1, %broadcast_in_dim3A_45 : vector<32x20480xi1>, vector<32x20480xf32>
      %reduce_sum3A_46 = vector.shape_cast %select_n3A : vector<32x20480xf32> to vector<1x32x20480xf32>
      %reduce_sum3A_47 = arith.constant dense<0.000000e+00> : vector<1xf32>
      %reduce_sum3A_48 = vector.multi_reduction <add>, %reduce_sum3A_46, %reduce_sum3A_47 [1, 2] : vector<1x32x20480xf32> to vector<1xf32>
      %reduce_sum3A_49 = vector.shape_cast %reduce_sum3A_48 : vector<1xf32> to vector<1x1x1xf32>
      %reduce_sum3A_50 = vector.extract %reduce_sum3A_49[0, 0, 0] : f32 from vector<1x1x1xf32>
      scf.yield %reduce_sum3A_50 : f32
    } else {
      %mul3A_45 = arith.constant 3.000000e+00 : f32
      %mul3A_46 = vector.broadcast %mul3A_45 : f32 to vector<32x1xf32>
      %mul3A_47 = arith.mulf %broadcast_in_dim3A, %mul3A_46 : vector<32x1xf32>
      %convert_element_type3A_48 = arith.fptosi %mul3A_47 : vector<32x1xf32> to vector<32x1xi32>
      %bitcast_convert_type3A = tpu.bitcast %get3A_1 : vector<32x20480xf32> -> vector<32x20480xi32>
      %lt3A_49 = arith.constant 0 : i32
      %lt3A_50 = vector.broadcast %lt3A_49 : i32 to vector<32x20480xi32>
      %lt3A_51 = arith.cmpi slt, %bitcast_convert_type3A, %lt3A_50 : vector<32x20480xi32>
      %xor3A = arith.constant 2147483647 : i32
      %xor3A_52 = vector.broadcast %xor3A : i32 to vector<32x20480xi32>
      %xor3A_53 = arith.xori %bitcast_convert_type3A, %xor3A_52 : vector<32x20480xi32>
      %select_n3A = arith.select %lt3A_51, %xor3A_53, %bitcast_convert_type3A : vector<32x20480xi1>, vector<32x20480xi32>
      %gt3A = arith.constant 0.000000e+00 : f32
      %gt3A_54 = vector.broadcast %gt3A : f32 to vector<32x20480xf32>
      %gt3A_55 = arith.cmpf ogt, %get3A_4, %gt3A_54 : vector<32x20480xf32>
      %not3A = arith.constant dense<true> : vector<32x20480xi1>
      %not3A_56 = arith.xori %lt3A_6, %not3A : vector<32x20480xi1>
      %or3A = arith.ori %gt3A_55, %not3A_56 : vector<32x20480xi1>
      %jit3A = arith.constant -2147483648 : i32
      %broadcast_in_dim3A_57 = vector.broadcast %jit3A : i32 to vector<32x20480xi32>
      %select_n3A_58 = arith.select %or3A, %broadcast_in_dim3A_57, %select_n3A : vector<32x20480xi1>, vector<32x20480xi32>
      %broadcast_in_dim3A_59 = arith.constant -2147483648 : i32
      %broadcast_in_dim3A_60 = vector.broadcast %broadcast_in_dim3A_59 : i32 to vector<32x1xi32>
      %broadcast_in_dim3A_61 = arith.constant 2147483647 : i32
      %broadcast_in_dim3A_62 = vector.broadcast %broadcast_in_dim3A_61 : i32 to vector<32x1xi32>
      %scan3A = arith.constant 0 : i32
      %scan3A_63 = arith.constant 32 : i32
      %scan3A_64 = arith.addi %scan3A, %scan3A_63 : i32
      %scan3A_65 = arith.constant 1 : i32
      %scan3A_66:2 = scf.for %scan3A_98 = %scan3A to %scan3A_64 step %scan3A_65 iter_args(%scan3A_99 = %broadcast_in_dim3A_60, %scan3A_100 = %broadcast_in_dim3A_62) -> (vector<32x1xi32>, vector<32x1xi32>)  : i32 {
        %shift_right_arithmetic3A = arith.constant 1 : i32
        %shift_right_arithmetic3A_101 = vector.broadcast %shift_right_arithmetic3A : i32 to vector<32x1xi32>
        %shift_right_arithmetic3A_102 = arith.shrsi %scan3A_99, %shift_right_arithmetic3A_101 : vector<32x1xi32>
        %shift_right_arithmetic3A_103 = arith.constant 1 : i32
        %shift_right_arithmetic3A_104 = vector.broadcast %shift_right_arithmetic3A_103 : i32 to vector<32x1xi32>
        %shift_right_arithmetic3A_105 = arith.shrsi %scan3A_100, %shift_right_arithmetic3A_104 : vector<32x1xi32>
        %add3A = arith.addi %shift_right_arithmetic3A_102, %shift_right_arithmetic3A_105 : vector<32x1xi32>
        %or3A_106 = arith.ori %scan3A_99, %scan3A_100 : vector<32x1xi32>
        %and3A_107 = arith.constant 1 : i32
        %and3A_108 = vector.broadcast %and3A_107 : i32 to vector<32x1xi32>
        %and3A_109 = arith.andi %or3A_106, %and3A_108 : vector<32x1xi32>
        %add3A_110 = arith.addi %add3A, %and3A_109 : vector<32x1xi32>
        %ge3A_111 = vector.broadcast %add3A_110 : vector<32x1xi32> to vector<32x20480xi32>
        %ge3A_112 = arith.cmpi sge, %select_n3A_58, %ge3A_111 : vector<32x20480xi32>
        %convert_element_type3A_113 = arith.extui %ge3A_112 : vector<32x20480xi1> to vector<32x20480xi32>
        %reduce_sum3A_114 = arith.constant dense<0> : vector<32xi32>
        %reduce_sum3A_115 = vector.multi_reduction <add>, %convert_element_type3A_113, %reduce_sum3A_114 [1] : vector<32x20480xi32> to vector<32xi32>
        %broadcast_in_dim3A_116 = vector.shape_cast %reduce_sum3A_115 : vector<32xi32> to vector<32x1xi32>
        %ge3A_117 = arith.cmpi sge, %broadcast_in_dim3A_116, %convert_element_type3A_48 : vector<32x1xi32>
        %select_n3A_118 = arith.select %ge3A_117, %add3A_110, %scan3A_99 : vector<32x1xi1>, vector<32x1xi32>
        %sub3A_119 = arith.constant 1 : i32
        %sub3A_120 = vector.broadcast %sub3A_119 : i32 to vector<32x1xi32>
        %sub3A_121 = arith.subi %add3A_110, %sub3A_120 : vector<32x1xi32>
        %select_n3A_122 = arith.select %ge3A_117, %scan3A_100, %sub3A_121 : vector<32x1xi1>, vector<32x1xi32>
        scf.yield %select_n3A_118, %select_n3A_122 : vector<32x1xi32>, vector<32x1xi32>
      }
      %gt3A_67 = vector.broadcast %scan3A_66#0 : vector<32x1xi32> to vector<32x20480xi32>
      %gt3A_68 = arith.cmpi sgt, %select_n3A_58, %gt3A_67 : vector<32x20480xi32>
      %convert_element_type3A_69 = arith.extui %gt3A_68 : vector<32x20480xi1> to vector<32x20480xi32>
      %reduce_sum3A_70 = arith.constant dense<0> : vector<32xi32>
      %reduce_sum3A_71 = vector.multi_reduction <add>, %convert_element_type3A_69, %reduce_sum3A_70 [1] : vector<32x20480xi32> to vector<32xi32>
      %broadcast_in_dim3A_72 = vector.shape_cast %reduce_sum3A_71 : vector<32xi32> to vector<32x1xi32>
      %sub3A = arith.subi %convert_element_type3A_48, %broadcast_in_dim3A_72 : vector<32x1xi32>
      %eq3A = vector.broadcast %scan3A_66#0 : vector<32x1xi32> to vector<32x20480xi32>
      %eq3A_73 = arith.cmpi eq, %select_n3A_58, %eq3A : vector<32x20480xi32>
      %broadcast_in_dim3A_74 = arith.constant -1 : i32
      %broadcast_in_dim3A_75 = vector.broadcast %broadcast_in_dim3A_74 : i32 to vector<32x1xi32>
      %broadcast_in_dim3A_76 = arith.constant 20479 : i32
      %broadcast_in_dim3A_77 = vector.broadcast %broadcast_in_dim3A_76 : i32 to vector<32x1xi32>
      %scan3A_78 = arith.constant 0 : i32
      %scan3A_79 = arith.constant 16 : i32
      %scan3A_80 = arith.addi %scan3A_78, %scan3A_79 : i32
      %scan3A_81 = arith.constant 1 : i32
      %scan3A_82:2 = scf.for %scan3A_98 = %scan3A_78 to %scan3A_80 step %scan3A_81 iter_args(%scan3A_99 = %broadcast_in_dim3A_75, %scan3A_100 = %broadcast_in_dim3A_77) -> (vector<32x1xi32>, vector<32x1xi32>)  : i32 {
        %add3A = arith.addi %scan3A_99, %scan3A_100 : vector<32x1xi32>
        %shift_right_arithmetic3A = arith.constant 1 : i32
        %shift_right_arithmetic3A_101 = vector.broadcast %shift_right_arithmetic3A : i32 to vector<32x1xi32>
        %shift_right_arithmetic3A_102 = arith.shrsi %add3A, %shift_right_arithmetic3A_101 : vector<32x1xi32>
        %le3A_103 = vector.broadcast %shift_right_arithmetic3A_102 : vector<32x1xi32> to vector<32x20480xi32>
        %le3A_104 = arith.cmpi sle, %iota3A, %le3A_103 : vector<32x20480xi32>
        %and3A_105 = arith.andi %eq3A_73, %le3A_104 : vector<32x20480xi1>
        %convert_element_type3A_106 = arith.extui %and3A_105 : vector<32x20480xi1> to vector<32x20480xi32>
        %reduce_sum3A_107 = arith.constant dense<0> : vector<32xi32>
        %reduce_sum3A_108 = vector.multi_reduction <add>, %convert_element_type3A_106, %reduce_sum3A_107 [1] : vector<32x20480xi32> to vector<32xi32>
        %broadcast_in_dim3A_109 = vector.shape_cast %reduce_sum3A_108 : vector<32xi32> to vector<32x1xi32>
        %ge3A_110 = arith.cmpi sge, %broadcast_in_dim3A_109, %sub3A : vector<32x1xi32>
        %add3A_111 = arith.constant 1 : i32
        %add3A_112 = vector.broadcast %add3A_111 : i32 to vector<32x1xi32>
        %add3A_113 = arith.addi %shift_right_arithmetic3A_102, %add3A_112 : vector<32x1xi32>
        %select_n3A_114 = arith.select %ge3A_110, %scan3A_99, %add3A_113 : vector<32x1xi1>, vector<32x1xi32>
        %select_n3A_115 = arith.select %ge3A_110, %shift_right_arithmetic3A_102, %scan3A_100 : vector<32x1xi1>, vector<32x1xi32>
        scf.yield %select_n3A_114, %select_n3A_115 : vector<32x1xi32>, vector<32x1xi32>
      }
      %le3A = vector.broadcast %scan3A_82#1 : vector<32x1xi32> to vector<32x20480xi32>
      %le3A_83 = arith.cmpi sle, %iota3A, %le3A : vector<32x20480xi32>
      %and3A = arith.andi %eq3A_73, %le3A_83 : vector<32x20480xi1>
      %or3A_84 = arith.ori %gt3A_68, %and3A : vector<32x20480xi1>
      %gt3A_85 = arith.constant 0.000000e+00 : f32
      %gt3A_86 = vector.broadcast %gt3A_85 : f32 to vector<32x20480xf32>
      %gt3A_87 = arith.cmpf ogt, %get3A_4, %gt3A_86 : vector<32x20480xf32>
      %or3A_88 = arith.ori %or3A_84, %gt3A_87 : vector<32x20480xi1>
      %and3A_89 = arith.andi %or3A_88, %lt3A_6 : vector<32x20480xi1>
      %jit3A_90 = arith.constant 0.000000e+00 : f32
      %broadcast_in_dim3A_91 = vector.broadcast %jit3A_90 : f32 to vector<32x20480xf32>
      %select_n3A_92 = arith.select %and3A_89, %get3A_1, %broadcast_in_dim3A_91 : vector<32x20480xi1>, vector<32x20480xf32>
      %reduce_sum3A_93 = vector.shape_cast %select_n3A_92 : vector<32x20480xf32> to vector<1x32x20480xf32>
      %reduce_sum3A_94 = arith.constant dense<0.000000e+00> : vector<1xf32>
      %reduce_sum3A_95 = vector.multi_reduction <add>, %reduce_sum3A_93, %reduce_sum3A_94 [1, 2] : vector<1x32x20480xf32> to vector<1xf32>
      %reduce_sum3A_96 = vector.shape_cast %reduce_sum3A_95 : vector<1xf32> to vector<1x1x1xf32>
      %reduce_sum3A_97 = vector.extract %reduce_sum3A_96[0, 0, 0] : f32 from vector<1x1x1xf32>
      scf.yield %reduce_sum3A_97 : f32
    }
    %reduce_sum3A_25 = vector.shape_cast %broadcast_in_dim3A : vector<32x1xf32> to vector<1x32x1xf32>
    %reduce_sum3A_26 = arith.constant dense<0.000000e+00> : vector<1xf32>
    %reduce_sum3A_27 = vector.multi_reduction <add>, %reduce_sum3A_25, %reduce_sum3A_26 [1, 2] : vector<1x32x1xf32> to vector<1xf32>
    %reduce_sum3A_28 = vector.shape_cast %reduce_sum3A_27 : vector<1xf32> to vector<1x1x1xf32>
    %reduce_sum3A_29 = vector.extract %reduce_sum3A_28[0, 0, 0] : f32 from vector<1x1x1xf32>
    %div3A = arith.divf %cond3A_24, %reduce_sum3A_29 : f32
    %reshape3A = vector.broadcast %div3A : f32 to vector<1x1xf32>
    %swap3A = arith.constant 0 : index
    %swap3A_30 = arith.constant 0 : index
    %swap3A_31 = vector.load %arg3[%swap3A, %swap3A_30] : memref<1x1xf32, #tpu.memory_space<vmem>>, vector<1x1xf32>
    tpu.vector_store %arg3[%swap3A, %swap3A_30], %reshape3A {strides = array<i32>} : memref<1x1xf32, #tpu.memory_space<vmem>>, vector<1x1xf32>,
    %get3A_32 = arith.constant 0 : index
    %get3A_33 = arith.constant 0 : index
    %get3A_34 = vector.load %arg2[%get3A_32, %get3A_33] : memref<32x16xf32, #tpu.memory_space<vmem>>, vector<32x16xf32>
    %reduce_sum3A_35 = vector.shape_cast %get3A_34 : vector<32x16xf32> to vector<1x32x16xf32>
    %reduce_sum3A_36 = arith.constant dense<0.000000e+00> : vector<1xf32>
    %reduce_sum3A_37 = vector.multi_reduction <add>, %reduce_sum3A_35, %reduce_sum3A_36 [1, 2] : vector<1x32x16xf32> to vector<1xf32>
    %reduce_sum3A_38 = vector.shape_cast %reduce_sum3A_37 : vector<1xf32> to vector<1x1x1xf32>
    %reduce_sum3A_39 = vector.extract %reduce_sum3A_38[0, 0, 0] : f32 from vector<1x1x1xf32>
    %div3A_40 = arith.divf %reduce_sum3A_39, %reduce_sum3A_29 : f32
    %reshape3A_41 = vector.broadcast %div3A_40 : f32 to vector<1x1xf32>
    %swap3A_42 = arith.constant 0 : index
    %swap3A_43 = arith.constant 0 : index
    %swap3A_44 = vector.load %arg4[%swap3A_42, %swap3A_43] : memref<1x1xf32, #tpu.memory_space<vmem>>, vector<1x1xf32>
    tpu.vector_store %arg4[%swap3A_42, %swap3A_43], %reshape3A_41 {strides = array<i32>} : memref<1x1xf32, #tpu.memory_space<vmem>>, vector<1x1xf32>,
    return
  }
}

</mosaic_0001>

<sc_bundles>
// kernel: kernel.5.cloned.1.call-start
scs
__scs_entry_jumppad:
0x0: {  	(pc) =	sbr.rel $0x88, $3  }
0x1: {  	(tag) =	ssettag $0x0;
	lr =	simm.s32 $0x1  }
0x2: {  	[smem:$0x3F9C] =	sst lr;
	_ =	strace $0xD0000000  }
0x3: {  	_ = 	snop  }
0x4: {  	_ = 	snop  }
0x5: {  	_ = 	snop  }
0x6: {  	_ = 	snop  }
0x7: {  	_ = 	snop  }
__scs_overlays_trampoline_lowered:
0x8: {  	[smem:$0x3FAB] =	sst s0  }
0x9: {  	[smem:$0x3FAC] =	sst s1  }
0xa: {  	[smem:$0x3FAD] =	sst s2  }
0xb: {  	[smem:$0x3FAE] =	sst s3  }
0xc: {  	[smem:$0x3FAF] =	sst s4  }
0xd: {  	[smem:$0x3FB0] =	sst s5  }
0xe: {  	[smem:$0x3FB1] =	sst s6  }
0xf: {  	[smem:$0x3FB2] =	sst s7  }
0x10: {  	[smem:$0x3FB3] =	sst s8  }
0x11: {  	[smem:$0x3FB4] =	sst s9;
	s0 =	simm.s32 @!p0 $0x0  }
0x12: {  	s1 =	sld [smem:$0x3F9A];
	s0 =	simm.s32 @p0 $0x1  }
0x13: {  	[smem:$0x3FB5] =	sst s0;
	s0 =	simm.s32 @!p1 $0x0  }
0x14: {  	s2 =	sld [smem:$0x3F99];
	s0 =	simm.s32 @p1 $0x1  }
0x15: {  	[smem:$0x3FB6] =	sst s0;
	s0 =	simm.s32 @!p2 $0x0  }
0x16: {  	s3 =	sld [smem:$0x3FDB];
	s0 =	simm.s32 @p2 $0x1  }
0x17: {  	s4 =	simm.s32 $0x1BF5;
	[smem:$0x3FB8] =	sst s0  }
0x18: {  	s0 =	sld [smem:$0x3F9B];
	_ =	swait.ge [sflag:s4], $0x0  }
0x19: {  	s7 =	sld [smem:$0x3F9C]  }
0x1a: {  	s8 =	sadd.s32 $0xFFFFE003, lr  }
0x1b: {  	s9 =	sadd.s32 $0xFFFFFEF7, lr;
	s5 =	simm.s32 $0xFFFFFFFF;
	p2 =	slt.u32 s8, $0xFFFFF086  }
0x1c: {  	p1 =	slt.u32 s9, $0xF7A;
	s5 =	simm.s32 @!p2 $0x0  }
0x1d: {  	s5 =	simm.s32 @p1 $0x1;
	p0 =	seq.s32 s7, s2  }
0x1e: {  	s7 =	smul.u32 @!p0 $0xF7A, s2;
	p2 =	seq.s32 @!p0 s5, $0x0  }
0x1f: {  	s9 =	smul.u32 $0xF7A, s1;
	s8 =	simm.s32 @!p0 $0x1BF5;
	p2 =	por !p2, p0  }
0x20: {  	[sflag:s8] =	ssyncset.s32 @!p0 $0xFFFFF086;
	s6 =	sadd.s32 @!p0 s3, s7;
	s7 =	simm.s32 @!p0 $0x108  }
0x21: {  	s3 =	sadd.s32 s3, s9;
	s6 =	sadd.s32 @!p0 $0x88, s6;
	s7 =	simm.s32 @p2 $0x1082  }
0x22: {  	[simem:s7], [sflag:s8] =	dma.local @!p0 [hbm:s6], $0xF7A  }
0x23: {  	s9 =	sor.u32 $0xD0000000, s2;
	s6 =	simm.s32 $0x108;
	_ =	swait.ge @!p0 [sflag:s8], $0x0  }
0x24: {  	s3 =	sadd.s32 $0x88, s3;
	s6 =	simm.s32 @!p1 $0x1082;
	[sflag:s4] =	ssyncset.s32 $0xFFFFF086  }
0x25: {  	[simem:s6], [sflag:s4] =	dma.local [hbm:s3], $0xF7A  }
0x26: {  	[smem:$0x3F9C] =	sst s1;
	(tag) =	ssettag s2;
	_ =	strace s9  }
0x27: {  	s1 =	sld [smem:$0x3FAC]  }
0x28: {  	s2 =	sld [smem:$0x3FAD]  }
0x29: {  	s4 =	sld [smem:$0x3FAF]  }
0x2a: {  	p0 =	seq.s32 s5, $0x0;
	s5 =	sld [smem:$0x3FB0]  }
0x2b: {  	s6 =	sld [smem:$0x3FB1]  }
0x2c: {  	s7 =	sld [smem:$0x3FB2]  }
0x2d: {  	s3 =	simm.s32 $0x108;
	s8 =	sld [smem:$0x3FB3]  }
0x2e: {  	s3 =	simm.s32 @!p0 $0x1082;
	s9 =	sld [smem:$0x3FB4]  }
0x2f: {  	lr =	sadd.s32 s0, s3;
	s0 =	sld [smem:$0x3FAB]  }
0x30: {  	s3 =	sld [smem:$0x3FAE]  }
0x31: {  	[smem:$0x3FB7] =	sst s10  }
0x32: {  	s10 =	sld [smem:$0x3FB5];
	_ =	sdelay $0x3  }
0x33: {  	p0 =	seq.s32 s10, $0x1;
	s10 =	sld [smem:$0x3FB7];
	_ =	sdelay $0x3  }
0x34: {  	[smem:$0x3FB7] =	sst s10  }
0x35: {  	s10 =	sld [smem:$0x3FB6];
	_ =	sdelay $0x3  }
0x36: {  	p1 =	seq.s32 s10, $0x1;
	s10 =	sld [smem:$0x3FB7];
	_ =	sdelay $0x3  }
0x37: {  	[smem:$0x3FB7] =	sst s10  }
0x38: {  	s10 =	sld [smem:$0x3FB8]  }
0x39: {  	_ = 	snop;
	(pc) =	sbr.ind lr, $3  }
0x3a: {  	_ = 	snop  }
0x3b: {  	_ = 	snop  }
0x3c: {  	p2 =	seq.s32 s10, $0x1;
	s10 =	sld [smem:$0x3FB7]  }
0x3d: {  	_ =	shalt  }
0x3e: {  	_ =	shalt  }
0x3f: {  	_ =	shalt  }
0x40: {  	_ =	shalt  }
0x41: {  	_ =	shalt  }
0x42: {  	_ =	shalt  }
0x43: {  	_ =	shalt  }
0x44: {  	_ =	shalt  }
0x45: {  	_ =	shalt  }
0x46: {  	_ =	shalt  }
0x47: {  	_ =	shalt  }
0x48: {  	_ =	shalt  }
0x49: {  	_ =	shalt  }
0x4a: {  	_ =	shalt  }
0x4b: {  	_ =	shalt  }
0x4c: {  	_ =	shalt  }
0x4d: {  	_ =	shalt  }
0x4e: {  	_ =	shalt  }
0x4f: {  	_ =	shalt  }
0x50: {  	_ =	shalt  }
0x51: {  	_ =	shalt  }
0x52: {  	_ =	shalt  }
0x53: {  	_ =	shalt  }
0x54: {  	_ =	shalt  }
0x55: {  	_ =	shalt  }
0x56: {  	_ =	shalt  }
0x57: {  	_ =	shalt  }
0x58: {  	_ =	shalt  }
0x59: {  	_ =	shalt  }
0x5a: {  	_ =	shalt  }
0x5b: {  	_ =	shalt  }
0x5c: {  	_ =	shalt  }
0x5d: {  	_ =	shalt  }
0x5e: {  	_ =	shalt  }
0x5f: {  	_ =	shalt  }
0x60: {  	_ =	shalt  }
0x61: {  	_ =	shalt  }
0x62: {  	_ =	shalt  }
0x63: {  	_ =	shalt  }
0x64: {  	_ =	shalt  }
0x65: {  	_ =	shalt  }
0x66: {  	_ =	shalt  }
0x67: {  	_ =	shalt  }
0x68: {  	_ =	shalt  }
0x69: {  	_ =	shalt  }
0x6a: {  	_ =	shalt  }
0x6b: {  	_ =	shalt  }
0x6c: {  	_ =	shalt  }
0x6d: {  	_ =	shalt  }
0x6e: {  	_ =	shalt  }
0x6f: {  	_ =	shalt  }
0x70: {  	_ =	shalt  }
0x71: {  	_ =	shalt  }
0x72: {  	_ =	shalt  }
0x73: {  	_ =	shalt  }
0x74: {  	_ =	shalt  }
0x75: {  	_ =	shalt  }
0x76: {  	_ =	shalt  }
0x77: {  	_ =	shalt  }
0x78: {  	_ =	shalt  }
0x79: {  	_ =	shalt  }
0x7a: {  	_ =	shalt  }
0x7b: {  	_ =	shalt  }
0x7c: {  	_ =	shalt  }
0x7d: {  	_ =	shalt  }
0x7e: {  	_ =	shalt  }
0x7f: {  	_ =	shalt  }
0x80: {  	_ =	shalt  }
0x81: {  	_ =	shalt  }
0x82: {  	_ =	shalt  }
0x83: {  	_ =	shalt  }
0x84: {  	_ =	shalt  }
0x85: {  	_ =	shalt  }
0x86: {  	_ =	shalt  }
0x87: {  	_ =	shalt  }
.Lfunc_end0:
.L_simem_size_0:
called_computation_lowered:
.L_overlay_start_0:
0x88: {  	s2 =	sld [smem:$0x3FD9]  }
0x89: {  	s3 =	sld [smem:$0x3FFE];
	_ =	sdelay $0x1  }
0x8a: {  	s1 =	srdreg.scid  }
0x8b: {  	s0 =	sand.u32 $0x1, s1  }
0x8c: {  	s16 =	sshll.u32 s0, $0xA;
	s2 =	sadd.s32 s3, s2  }
0x8d: {  	s2 =	sadd.s32 s2, s16  }
0x8e: {  	[smem:$0x3FC3] =	sst s2  }
0x8f: {  	_ = 	snop  }
0x90: {  	(tm) =	ssettm $0x1  }
0x91: {  	s17 =	sld [smem:$0x3FFB];
	_ =	sdelay $0x3  }
0x92: {  	_ =	strace s17  }
0x93: {  	s2 =	sld [smem:$0x3FFC];
	_ =	sdelay $0x3  }
0x94: {  	_ =	strace s2  }
0x95: {  	s2 =	sld [smem:$0x3FFD];
	_ =	sdelay $0x3  }
0x96: {  	_ =	strace s2  }
0x97: {  	_ =	strace $0x8FFFFFFF  }
0x98: {  	s18 =	sld [smem:$0x3FDB];
	_ =	sdelay $0x1  }
0x99: {  	s19 =	simm.s32 $_scs_section_size  }
0x9a: {  	s4 =	simm.s32 $_size__tile_overlayer_lowered;
	s5 =	simm.s32 $_tile_overlayer_lowered  }
0x9b: {  	s22 =	simm.s32 $0x1BFF;
	s21 =	sshll.u32 s5, $0x1;
	s2 =	sadd.s32 s19, s18  }
0x9c: {  	s6 =	simm.s32 $0x0;
	s20 =	sshll.u32 s4, $0x1;
	s4 =	sadd.s32 s21, s2  }
0x9d: {  	[timem:s6], [sflag:s22] =	dma.local [hbm:s4], s20  }
0x9e: {  	_ =	swait.ge [sflag:s22], s20  }
0x9f: {  	s3 =	ssub.s32 $0x0, s20;
	[sflag:s22] =	ssyncset.done $0x0  }
0xa0: {  	[sflag:s22] =	ssyncadd.s32 s3;
	_ =	sdelay $0x1  }
0xa1: {  	s23 =	simm.s32 $0x1B8B  }
0xa2: {  	_ =	swait.ge [sflag:s23], $0x1  }
0xa3: {  	[sflag:s23] =	ssyncset.done $0x0  }
0xa4: {  	s25 =	simm.s32 $0x1B8E;
	s24 =	sld [smem:$0x3FFE];
	[sflag:s23] =	ssyncadd.s32 $0xFFFFFFFF  }
0xa5: {  	s26 =	simm.s32 $execute0_lowered;
	[smem:$0x3FD2] =	sst s25  }
0xa6: {  	s4 =	sshll.u32 s26, $0x1;
	_ =	strace $0x80000046;
	[dreg:$0x1] =	wrdreg $0xFFFFFFFF  }
0xa7: {  	s28 =	simm.s32 $_size_execute0_lowered;
	s2 =	sadd.s32 s2, s4;
	[dreg:$0x0] =	wrdreg $0x0  }
0xa8: {  	s4 =	sshll.u32 s28, $0x1;
	[dreg:$0x2] =	wrdreg s2  }
0xa9: {  	[dreg:$0x3] =	wrdreg s4  }
0xaa: {  	[dreg:$0x4] =	wrdreg $0xC0  }
0xab: {  	_ =	task [dreg:s6], $0x5FFFF  }
0xac: {  	[dreg:$0x1] =	wrdreg $0xFFFFFFFF  }
0xad: {  	[dreg:$0x0] =	wrdreg $0x60  }
0xae: {  	[dreg:$0x2] =	wrdreg s24  }
0xaf: {  	[dreg:$0x3] =	wrdreg $0x9  }
0xb0: {  	_ =	task.clear_ibuf [dreg:s6], $0x4FFFF;
	_ =	strace $0x90000046  }
0xb1: {  	s29 =	simm.s32 $0x9;
	_ =	strace $0x80000048  }
0xb2: {  	_ =	swait.ge [sflag:s29], $0x1  }
0xb3: {  	[sflag:s29] =	ssyncadd.s32 $0xFFFFFFFF  }
0xb4: {  	_ =	strace $0x90000048  }
0xb5: {  	_ =	sfence  }
0xb6: {  	s30 =	sld [smem:$0x0];
	_ =	sdelay $0x2  }
0xb7: {  	s31 =	sshll.u32 s1, $0xD;
	s1 =	sshrl.u32 s1, $0x2  }
0xb8: {  	s3 =	sand.u32 $0x4000, s31;
	s1 =	sadd.s32 s1, s30  }
0xb9: {  	s0 =	sor.u32 s3, s0;
	s1 =	sshll.u32 s1, $0x11  }
0xba: {  	s0 =	sor.u32 s1, s0  }
0xbb: {  	s0 =	sadd.s32 $0x8F2B, s0  }
0xbc: {  	[sflag:s0] =	ssyncadd.remote.s32 $0x1  }
0xbd: {  	_ =	sfence.sel $0xFFFF  }
0xbe: {  	[dreg:$0x0] =	wrdreg $0xFFFFFFFF;
	(pc) =	sbr.abs _section_cstart, $3  }
0xbf: {  	[dreg:$0x1] =	wrdreg $0xFFFFFFFF  }
0xc0: {  	_ =	task.clear_ibuf [dreg:s6], $0x2FFFF;
	_ =	strace $0x9FFFFFFF  }
0xc1: {  	(tm) =	ssettm $0x7FFFFFFF  }
tec
execute0_lowered:
.L_overlay_start_1:
0x0: {  	(tag) =	ssettag $0x1  }
0x1: {  	s8 =	rddreg [dreg:$0x0];
	s0 =	simm.s32 $0x0  }
0x2: {  	s6 =	srdreg.scid;
	s30 =	stileid.u32;
	s13 =	simm.s32 $0x3000  }
0x3: {  	s14 =	simm.s32 $0x4000;
	s15 =	simm.s32 $0x5000;
	s16 =	simm.s32 $0x6000  }
0x4: {  	s17 =	simm.s32 $0x7000;
	s18 =	simm.s32 $0x8000;
	s19 =	simm.s32 $0x9000  }
0x5: {  	s20 =	simm.s32 $0xA000;
	s21 =	simm.s32 $0xB000;
	s22 =	simm.s32 $0xC000  }
0x6: {  	s23 =	simm.s32 $0x1;
	s25 =	simm.s32 $0x2;
	s26 =	simm.s32 $0x0  }
0x7: {  	[smem:$0x7FF] =	sst s0;
	s3 =	sadd.s32 $0x1400, s8;
	s4 =	sadd.s32 $0x4F600, s8  }
0x8: {  	s5 =	sadd.s32 $0xB1200, s8;
	s7 =	sand.u32 $0x1, s6;
	s9 =	sshll.u32 s30, $0x1  }
0x9: {  	s6 =	sadd.s32 $0x9D800, s8;
	s9 =	sor.u32 s7, s9;
	s10 =	ssub.s32 $0x2, s7  }
0xa: {  	_ =	strace $0x80000047;
	s11 =	sshll.u32 s9, $0x4;
	s12 =	sshrl.u32 s10, $0x1  }
0xb: {  	s7 =	smul.u32 $0x13880, s9;
	s11 =	sadd.s32 s11, s8;
	s10 =	ssub.s32 s10, s12  }
0xc: {  	s8 =	smul.u32 $0x4E20, s9;
	s12 =	simm.s32 $0x2000;
	s31 =	sadd.s32 $0xB3A00, s11  }
0xd: {  	s10 =	smax.u32 s10, $0x1;
	s11 =	simm.s32 $0x1000;
	[dreg:$0x2] =	wrdreg s31  }
.LBB2_1:
0xe: {  	v0 =	vimm.f32 $0.0e+00;
	s28 =	simm.s32 $0x0  }
.LBB2_2:
0xf: {  	s29 =	smul.u32 $0xFA0, s28;
	_ =	sdelay $0x1  }
0x10: {  	s30 =	sadd.s32 s7, s29  }
0x11: {  	s30 =	sshrl.u32 s30, $0x3  }
0x12: {  	s0 =	simm.s32 $0x0;
	s31 =	sadd.s32 s3, s30  }
0x13: {  	[tilespmem:s0], [sflag:$0x1] =	stream.linear.gather [hbm4b:s31+s0], $0xFA0, $0x38;
	[tilespmem:$0xD080] =	vst v63  }
0x14: {  	s31 =	sadd.s32 $0x9C4, s30  }
0x15: {  	s2 =	sadd.s32 s3, s31  }
0x16: {  	[tilespmem:s11], [sflag:$0x1] =	stream.linear.gather [hbm4b:s2+s0], $0xFA0, $0x38;
	[tilespmem:$0xD080] =	vst v63  }
0x17: {  	s2 =	sadd.s32 $0x1388, s30  }
0x18: {  	s1 =	sadd.s32 s3, s2  }
0x19: {  	[tilespmem:s12], [sflag:$0x1] =	stream.linear.gather [hbm4b:s1+s0], $0xFA0, $0x38;
	[tilespmem:$0xD080] =	vst v63  }
0x1a: {  	s1 =	sadd.s32 $0x1D4C, s30  }
0x1b: {  	s9 =	sshrl.u32 s29, $0x3;
	s24 =	sadd.s32 s3, s1  }
0x1c: {  	[tilespmem:s13], [sflag:$0x1] =	stream.linear.gather [hbm4b:s24+s0], $0xFA0, $0x38;
	[tilespmem:$0xD080] =	vst v63  }
0x1d: {  	s24 =	sadd.s32 s5, s9  }
0x1e: {  	[tilespmem:s14], [sflag:$0x1] =	stream.linear.gather [hbm4b:s24+s0], $0xFA0, $0x38;
	[tilespmem:$0xD080] =	vst v63  }
0x1f: {  	s9 =	sadd.s32 $0x9C4, s24  }
0x20: {  	[tilespmem:s15], [sflag:$0x1] =	stream.linear.gather [hbm4b:s9+s0], $0xFA0, $0x38;
	[tilespmem:$0xD080] =	vst v63  }
0x21: {  	s9 =	sadd.s32 $0x1388, s24  }
0x22: {  	[tilespmem:s16], [sflag:$0x1] =	stream.linear.gather [hbm4b:s9+s0], $0xFA0, $0x38;
	[tilespmem:$0xD080] =	vst v63  }
0x23: {  	s24 =	sadd.s32 $0x1D4C, s24  }
0x24: {  	[tilespmem:s17], [sflag:$0x1] =	stream.linear.gather [hbm4b:s24+s0], $0xFA0, $0x38;
	[tilespmem:$0xD080] =	vst v63  }
0x25: {  	s24 =	sadd.s32 s4, s30  }
0x26: {  	[tilespmem:s18], [sflag:$0x1] =	stream.linear.gather [hbm4b:s24+s0], $0xFA0, $0x38;
	[tilespmem:$0xD080] =	vst v63  }
0x27: {  	s24 =	sadd.s32 s4, s31  }
0x28: {  	[tilespmem:s19], [sflag:$0x1] =	stream.linear.gather [hbm4b:s24+s0], $0xFA0, $0x38;
	[tilespmem:$0xD080] =	vst v63  }
0x29: {  	s2 =	sadd.s32 s4, s2;
	s9 =	sadd.s32 s8, s29  }
0x2a: {  	[tilespmem:s20], [sflag:$0x1] =	stream.linear.gather [hbm4b:s2+s0], $0xFA0, $0x38;
	[tilespmem:$0xD080] =	vst v63  }
0x2b: {  	s1 =	sadd.s32 s4, s1;
	s24 =	sshrl.u32 s9, $0x3  }
0x2c: {  	[tilespmem:s21], [sflag:$0x1] =	stream.linear.gather [hbm4b:s1+s0], $0xFA0, $0x38;
	[tilespmem:$0xD080] =	vst v63  }
0x2d: {  	s1 =	sadd.s32 s6, s24  }
0x2e: {  	[tilespmem:s22], [sflag:$0x1] =	stream.linear.gather [hbm4b:s1+s0], $0xFA0, $0x38;
	[tilespmem:$0xD080] =	vst v63  }
0x2f: {  	_ =	swait.ge [sflag:s23], $0xFA0  }
0x30: {  	[sflag:s23] =	ssyncset.done $0x0  }
0x31: {  	[sflag:s23] =	ssyncadd.s32 $0xFFFFF060  }
0x32: {  	_ =	swait.ge [sflag:s23], $0xFA0  }
0x33: {  	[sflag:s23] =	ssyncset.done $0x0  }
0x34: {  	[sflag:s23] =	ssyncadd.s32 $0xFFFFF060  }
0x35: {  	_ =	swait.ge [sflag:s23], $0xFA0  }
0x36: {  	[sflag:s23] =	ssyncset.done $0x0  }
0x37: {  	[sflag:s23] =	ssyncadd.s32 $0xFFFFF060  }
0x38: {  	_ =	swait.ge [sflag:s23], $0xFA0  }
0x39: {  	[sflag:s23] =	ssyncset.done $0x0  }
0x3a: {  	[sflag:s23] =	ssyncadd.s32 $0xFFFFF060  }
0x3b: {  	_ =	swait.ge [sflag:s23], $0xFA0  }
0x3c: {  	[sflag:s23] =	ssyncset.done $0x0  }
0x3d: {  	[sflag:s23] =	ssyncadd.s32 $0xFFFFF060  }
0x3e: {  	_ =	swait.ge [sflag:s23], $0xFA0  }
0x3f: {  	[sflag:s23] =	ssyncset.done $0x0  }
0x40: {  	[sflag:s23] =	ssyncadd.s32 $0xFFFFF060  }
0x41: {  	_ =	swait.ge [sflag:s23], $0xFA0  }
0x42: {  	[sflag:s23] =	ssyncset.done $0x0  }
0x43: {  	[sflag:s23] =	ssyncadd.s32 $0xFFFFF060  }
0x44: {  	_ =	swait.ge [sflag:s23], $0xFA0  }
0x45: {  	[sflag:s23] =	ssyncset.done $0x0  }
0x46: {  	[sflag:s23] =	ssyncadd.s32 $0xFFFFF060  }
0x47: {  	_ =	swait.ge [sflag:s23], $0xFA0  }
0x48: {  	[sflag:s23] =	ssyncset.done $0x0  }
0x49: {  	[sflag:s23] =	ssyncadd.s32 $0xFFFFF060  }
0x4a: {  	_ =	swait.ge [sflag:s23], $0xFA0  }
0x4b: {  	[sflag:s23] =	ssyncset.done $0x0  }
0x4c: {  	[sflag:s23] =	ssyncadd.s32 $0xFFFFF060  }
0x4d: {  	_ =	swait.ge [sflag:s23], $0xFA0  }
0x4e: {  	[sflag:s23] =	ssyncset.done $0x0  }
0x4f: {  	[sflag:s23] =	ssyncadd.s32 $0xFFFFF060  }
0x50: {  	_ =	swait.ge [sflag:s23], $0xFA0  }
0x51: {  	[sflag:s23] =	ssyncset.done $0x0  }
0x52: {  	[sflag:s23] =	ssyncadd.s32 $0xFFFFF060  }
0x53: {  	_ =	swait.ge [sflag:s23], $0xFA0  }
0x54: {  	[sflag:s23] =	ssyncset.done $0x0  }
0x55: {  	s30 =	simm.s32 $0x0;
	[sflag:s23] =	ssyncadd.s32 $0xFFFFF060  }
0x56: {  	v1 =	vld [tilespmem:s30+$0x3000]  }
0x57: {  	v2 =	vld [tilespmem:s30+$0x2000];
	_ =	sdelay $0x3  }
0x58: {  	v1 =	vmin.f32 v1, $4.135166650e+00  }
0x59: {  	v2 =	vmin.f32 v2, $4.135166650e+00;
	v1 =	vmul.f32 $1.442695020e+00, v1  }
0x5a: {  	v3 =	vld [tilespmem:s30+$0x4000];
	v2 =	vmul.f32 $1.442695020e+00, v2  }
0x5b: {  	v4 =	vld [tilespmem:s30+$0x7000];
	(erf) = vpow2.f32 v1  }
0x5c: {  	v1 =	vld [tilespmem:s30+$0x6000];
	(erf) = vpow2.f32 v2  }
0x5d: {  	v2 =	vld [tilespmem:s30+$0x5000];
	_ =	sdelay $0x1  }
0x5e: {  	v5 =	vld [tilespmem:s30+$0x1000]  }
0x5f: {  	v6 =	vld [tilespmem:s30+$0x0]  }
0x60: {  	s29 =	simm.s32 $0x10;
	v7 =	vld [tilespmem:s30+$0xB000];
	v1 =	vsub.f32 v1, v3  }
0x61: {  	v10 =	vld [tilespmem:s29+$0x4000];
	v4 =	vsub.f32 v4, v2  }
0x62: {  	v9 =	vld [tilespmem:s29+$0x6000];
	v11 =	vmul.f32 $5.000000000e-01, v1  }
0x63: {  	v13 =	vld [tilespmem:s29+$0x3000];
	v14 =	vmul.f32 $5.000000000e-01, v4;
	v8 =	vpop (erf)  }
0x64: {  	v15 =	vld [tilespmem:s29+$0x2000];
	v6 =	vmul.f32 v6, v1;
	v5 =	vmul.f32 v5, v4;
	v3 =	vadd.f32 v11, v3;
	v12 =	vpop (erf)  }
0x65: {  	v2 =	vadd.f32 v14, v2;
	v4 =	vmul.f32 v8, v4;
	v8 =	vld [tilespmem:s30+$0x8000];
	v1 =	vmul.f32 v12, v1  }
0x66: {  	v3 =	vadd.f32 v3, v6;
	v6 =	vld [tilespmem:s30+$0xA000]  }
0x67: {  	v2 =	vadd.f32 v2, v5;
	v5 =	vld [tilespmem:s30+$0x9000];
	v1 =	vmul.f32 $5.000000000e-01, v1  }
0x68: {  	v11 =	vsub.f32 v9, v10;
	v9 =	vmin.f32 v13, $4.135166650e+00;
	v4 =	vmul.f32 $5.000000000e-01, v4  }
0x69: {  	v13 =	vmin.f32 v15, $4.135166650e+00;
	v12 =	vsub.f32 v3, v1;
	v1 =	vadd.f32 v1, v3  }
0x6a: {  	v9 =	vmul.f32 $1.442695020e+00, v9;
	v3 =	vadd.f32 v4, v2;
	v2 =	vsub.f32 v2, v4  }
0x6b: {  	v4 =	vsub.f32 v12, v8;
	v8 =	vmul.f32 $1.442695020e+00, v13;
	v1 =	vsub.f32 v1, v6  }
0x6c: {  	(erf) = vpow2.f32 v9;
	v3 =	vsub.f32 v3, v7;
	v2 =	vsub.f32 v2, v5  }
0x6d: {  	v6 =	vmul.f32 $5.000000000e-01, v4;
	(erf) = vpow2.f32 v8;
	v5 =	vand.u32 $0x7FFFFFFF, v1  }
0x6e: {  	v7 =	vmul.f32 $5.000000000e-01, v3;
	v8 =	vand.u32 $0x7FFFFFFF, v4;
	v13 =	vmul.f32 $5.000000000e-01, v1  }
0x6f: {  	v12 =	vand.u32 $0x7FFFFFFF, v2;
	v4 =	vmul.f32 v6, v4;
	v6 =	vmul.f32 $5.000000000e-01, v2  }
0x70: {  	v15 =	vld [tilespmem:s29+$0x7000];
	v9 =	vadd.f32 $-5.000000000e-01, v8;
	vm0 =	vlt.f32 v8, $1.000000000e+00;
	vm1 =	vlt.f32 v12, $1.000000000e+00  }
0x71: {  	v14 =	vld [tilespmem:s29+$0x5000];
	v4 =	vadd.f32 $0.0e+00, v4;
	v2 =	vmul.f32 v6, v2;
	v6 =	vadd.f32 $-5.000000000e-01, v12  }
0x72: {  	v16 =	vld [tilespmem:s30+$0xC000];
	v8 =	vadd.f32 $-5.000000000e-01, v5;
	vm13 =	vlt.f32 v5, $1.000000000e+00;
	v5 =	vand.u32 $0x7FFFFFFF, v3  }
0x73: {  	v1 =	vmul.f32 v13, v1;
	v12 =	vld [tilespmem:s29+$0x1000];
	v4 =	vsel vm0, v4, v9;
	v2 =	vsel vm1, v2, v6  }
0x74: {  	s30 =	simm.s32 $0x20;
	v9 =	vld [tilespmem:s29+$0x0];
	v6 =	vmul.f32 v7, v3;
	v7 =	vadd.f32 $-5.000000000e-01, v5;
	v4 =	vadd.f32 v2, v4  }
0x75: {  	v1 =	vsel vm13, v1, v8;
	v3 =	vld [tilespmem:s30+$0x4000]  }
0x76: {  	v15 =	vsub.f32 v15, v14;
	vm14 =	vlt.f32 v5, $1.000000000e+00;
	v5 =	vld [tilespmem:s30+$0x3000];
	v1 =	vadd.f32 v4, v1  }
0x77: {  	vm15 =	vgt.s32 v16, $0x0;
	v17 =	vpop (erf);
	v13 =	vmul.f32 $5.000000000e-01, v11;
	v2 =	vld [tilespmem:s29+$0xB000];
	v6 =	vsel vm14, v6, v7  }
0x78: {  	v63 =	vmul.f32 $5.000000000e-01, v15;
	v4 =	vld [tilespmem:s30+$0x6000];
	v8 =	vmul.f32 v12, v15;
	v7 =	vpop (erf);
	v1 =	vadd.f32 v1, v6  }
0x79: {  	v12 =	vadd.f32 v13, v10;
	v6 =	vld [tilespmem:s30+$0x2000];
	v9 =	vmul.f32 v9, v11;
	v13 =	vmul.f32 v7, v11  }
0x7a: {  	s31 =	simm.s32 $0xC0;
	v10 =	vadd.f32 v63, v14;
	v11 =	vmul.f32 v17, v15;
	v7 =	vld [tilespmem:s29+$0x8000];
	v1 =	vnsel vm15, $0x0, v1  }
.LBB2_3:
0x7b: {  	p0 =	sne.s32 s31, $0x3E40;
	v9 =	vadd.f32 v12, v9;
	v12 =	vmul.f32 $5.000000000e-01, v13;
	v13 =	vld [tilespmem:s29+$0xA000];
	v0 =	vadd.f32 v1, v0;
	v1 =	vmovc v3  }
0x7c: {  	v3 =	vadd.f32 v10, v8;
	v8 =	vmul.f32 $5.000000000e-01, v11;
	v10 =	vld [tilespmem:s29+$0x9000]  }
0x7d: {  	v11 =	vsub.f32 v4, v1;
	v4 =	vmin.f32 v5, $4.135166650e+00;
	v5 =	vsub.f32 v9, v12  }
0x7e: {  	v9 =	vadd.f32 v12, v9;
	v6 =	vmin.f32 v6, $4.135166650e+00;
	v12 =	vadd.f32 v8, v3  }
0x7f: {  	v4 =	vmul.f32 $1.442695020e+00, v4;
	v3 =	vsub.f32 v3, v8;
	v5 =	vsub.f32 v5, v7  }
0x80: {  	v6 =	vmul.f32 $1.442695020e+00, v6;
	v7 =	vsub.f32 v9, v13;
	v8 =	vsub.f32 v12, v2  }
0x81: {  	(erf) = vpow2.f32 v4;
	v2 =	vmul.f32 $5.000000000e-01, v5;
	v3 =	vsub.f32 v3, v10  }
0x82: {  	(erf) = vpow2.f32 v6;
	v4 =	vand.u32 $0x7FFFFFFF, v7;
	v6 =	vmul.f32 $5.000000000e-01, v8  }
0x83: {  	v9 =	vand.u32 $0x7FFFFFFF, v5;
	v2 =	vmul.f32 v2, v5;
	v5 =	vmul.f32 $5.000000000e-01, v3  }
0x84: {  	v12 =	vadd.f32 $-5.000000000e-01, v9;
	v14 =	vmul.f32 $5.000000000e-01, v7;
	v13 =	vand.u32 $0x7FFFFFFF, v3;
	v10 =	vld [tilespmem:s30+$0x5000]  }
0x85: {  	v15 =	vld [tilespmem:s30+$0x7000];
	v2 =	vadd.f32 $0.0e+00, v2;
	v3 =	vmul.f32 v5, v3;
	v5 =	vadd.f32 $-5.000000000e-01, v13  }
0x86: {  	vm0 =	vlt.f32 v9, $1.000000000e+00;
	v9 =	vadd.f32 $-5.000000000e-01, v4;
	vm1 =	vlt.f32 v13, $1.000000000e+00;
	v16 =	vld [tilespmem:s29+$0xC000];
	s29 =	smov.u32 s30  }
0x87: {  	v13 =	vld [tilespmem:s29+$0x1000];
	v2 =	vsel vm0, v2, v12;
	v3 =	vsel vm1, v3, v5;
	v5 =	vmul.f32 v14, v7  }
0x88: {  	vm0 =	vlt.f32 v4, $1.000000000e+00;
	v4 =	vand.u32 $0x7FFFFFFF, v8;
	v7 =	vld [tilespmem:s29+$0x0];
	v12 =	vadd.f32 v3, v2  }
0x89: {  	v6 =	vmul.f32 v6, v8;
	s30 =	sshra.s32 s31, $0x2;
	v8 =	vadd.f32 $-5.000000000e-01, v4;
	v2 =	vld [tilespmem:s29+$0xB000];
	v5 =	vsel vm0, v5, v9  }
.Ltmp0:
0x8a: {  	vm0 =	vlt.f32 v4, $1.000000000e+00;
	v3 =	vld [tilespmem:s30+$0x4000];
	v14 =	vsub.f32 v15, v10;
	v15 =	vpop (erf);
	v9 =	vadd.f32 v12, v5;
	(pc) =	sbr.rel @p0 .LBB2_3-.Ltmp0, $4  }
0x8b: {  	v12 =	vmul.f32 $5.000000000e-01, v11;
	v6 =	vsel vm0, v6, v8;
	v4 =	vld [tilespmem:s30+$0x6000];
	v17 =	vpop (erf);
	vm0 =	vgt.s32 v16, $0x0  }
0x8c: {  	v5 =	vld [tilespmem:s30+$0x3000];
	v8 =	vmul.f32 v13, v14;
	v16 =	vmul.f32 $5.000000000e-01, v14;
	v18 =	vadd.f32 v9, v6  }
0x8d: {  	v12 =	vadd.f32 v12, v1;
	v13 =	vmul.f32 v17, v11;
	v6 =	vld [tilespmem:s30+$0x2000];
	v9 =	vmul.f32 v7, v11  }
0x8e: {  	s31 =	sadd.s32 $0x40, s31;
	v11 =	vmul.f32 v15, v14;
	v10 =	vadd.f32 v16, v10;
	v7 =	vld [tilespmem:s29+$0x8000];
	v1 =	vnsel vm0, $0x0, v18  }
0x8f: {  	v18 =	vld [tilespmem:s29+$0xA000]  }
0x90: {  	v9 =	vadd.f32 v12, v9;
	v20 =	vld [tilespmem:s29+$0x9000]  }
0x91: {  	v17 =	vmul.f32 $5.000000000e-01, v13;
	v26 =	vld [tilespmem:s30+$0x5000];
	v8 =	vadd.f32 v10, v8;
	v5 =	vmin.f32 v5, $4.135166650e+00  }
0x92: {  	v28 =	vld [tilespmem:s30+$0x7000];
	v19 =	vmul.f32 $5.000000000e-01, v11;
	v6 =	vmin.f32 v6, $4.135166650e+00;
	v5 =	vmul.f32 $1.442695020e+00, v5  }
0x93: {  	v16 =	vld [tilespmem:s30+$0x0];
	v4 =	vsub.f32 v4, v3;
	v14 =	vsub.f32 v9, v17;
	v6 =	vmul.f32 $1.442695020e+00, v6  }
0x94: {  	v9 =	vadd.f32 v17, v9;
	v21 =	vsub.f32 v8, v19;
	(erf) = vpow2.f32 v5  }
0x95: {  	v22 =	vadd.f32 v19, v8;
	v7 =	vsub.f32 v14, v7;
	(erf) = vpow2.f32 v6  }
0x96: {  	v38 =	vmul.f32 $5.000000000e-01, v4;
	v23 =	vsub.f32 v9, v18;
	v25 =	vsub.f32 v21, v20  }
0x97: {  	v35 =	vld [tilespmem:s30+$0x1000];
	v2 =	vsub.f32 v22, v2;
	v36 =	vsub.f32 v28, v26  }
0x98: {  	v3 =	vadd.f32 v38, v3;
	v16 =	vmul.f32 v16, v4;
	v24 =	vmul.f32 $5.000000000e-01, v7  }
0x99: {  	v29 =	vand.u32 $0x7FFFFFFF, v7;
	v27 =	vand.u32 $0x7FFFFFFF, v23;
	v30 =	vmul.f32 $5.000000000e-01, v25  }
0x9a: {  	v31 =	vadd.f32 $-5.000000000e-01, v29;
	v32 =	vand.u32 $0x7FFFFFFF, v25;
	v15 =	vmul.f32 $5.000000000e-01, v23  }
0x9b: {  	vm0 =	vlt.f32 v29, $1.000000000e+00;
	v39 =	vand.u32 $0x7FFFFFFF, v2;
	v6 =	vmul.f32 v24, v7  }
0x9c: {  	v41 =	vmul.f32 $5.000000000e-01, v36;
	v43 =	vmul.f32 v35, v36;
	v3 =	vadd.f32 v3, v16  }
0x9d: {  	v33 =	vadd.f32 $-5.000000000e-01, v32;
	v7 =	vmul.f32 v30, v25;
	v6 =	vadd.f32 $0.0e+00, v6;
	v37 =	vpop (erf)  }
0x9e: {  	vm1 =	vlt.f32 v32, $1.000000000e+00;
	v34 =	vadd.f32 $-5.000000000e-01, v27;
	v8 =	vmul.f32 v15, v23;
	v40 =	vpop (erf)  }
0x9f: {  	v42 =	vld [tilespmem:s30+$0xB000];
	v7 =	vsel vm1, v7, v33;
	v6 =	vsel vm0, v6, v31;
	v4 =	vmul.f32 v40, v4  }
0xa0: {  	v44 =	vld [tilespmem:s30+$0x8000];
	v10 =	vadd.f32 v41, v26;
	v6 =	vadd.f32 v7, v6;
	v7 =	vmul.f32 v37, v36  }
0xa1: {  	v47 =	vld [tilespmem:s30+$0x9000];
	vm8 =	vlt.f32 v27, $1.000000000e+00;
	v46 =	vadd.f32 $-5.000000000e-01, v39;
	v4 =	vmul.f32 $5.000000000e-01, v4  }
0xa2: {  	v45 =	vld [tilespmem:s30+$0xA000];
	v8 =	vsel vm8, v8, v34;
	v10 =	vadd.f32 v10, v43;
	v7 =	vmul.f32 $5.000000000e-01, v7  }
0xa3: {  	v6 =	vadd.f32 v6, v8;
	v48 =	vsub.f32 v3, v4  }
0xa4: {  	v49 =	vmul.f32 $5.000000000e-01, v2;
	v50 =	vadd.f32 v7, v10;
	v7 =	vsub.f32 v10, v7  }
0xa5: {  	v3 =	vadd.f32 v4, v3;
	v8 =	vsub.f32 v48, v44  }
0xa6: {  	v2 =	vmul.f32 v49, v2;
	v4 =	vsub.f32 v50, v42;
	v7 =	vsub.f32 v7, v47  }
0xa7: {  	vm9 =	vlt.f32 v39, $1.000000000e+00;
	v3 =	vsub.f32 v3, v45;
	v51 =	vmul.f32 $5.000000000e-01, v8  }
0xa8: {  	v2 =	vsel vm9, v2, v46;
	v53 =	vmul.f32 $5.000000000e-01, v4;
	v55 =	vmul.f32 $5.000000000e-01, v7  }
0xa9: {  	v13 =	vand.u32 $0x7FFFFFFF, v7;
	v52 =	vand.u32 $0x7FFFFFFF, v3;
	v5 =	vmul.f32 v51, v8  }
0xaa: {  	v54 =	vand.u32 $0x7FFFFFFF, v8;
	v57 =	vmul.f32 $5.000000000e-01, v3;
	v58 =	vadd.f32 $-5.000000000e-01, v13  }
0xab: {  	v56 =	vadd.f32 $-5.000000000e-01, v54;
	v7 =	vmul.f32 v55, v7;
	v5 =	vadd.f32 $0.0e+00, v5  }
0xac: {  	v59 =	vld [tilespmem:s29+$0xC000];
	vm11 =	vlt.f32 v13, $1.000000000e+00;
	vm10 =	vlt.f32 v54, $1.000000000e+00;
	v60 =	vadd.f32 $-5.000000000e-01, v52  }
0xad: {  	v3 =	vmul.f32 v57, v3;
	v7 =	vsel vm11, v7, v58;
	v5 =	vsel vm10, v5, v56  }
0xae: {  	v61 =	vld [tilespmem:s30+$0xC000];
	v62 =	vand.u32 $0x7FFFFFFF, v4;
	vm12 =	vlt.f32 v52, $1.000000000e+00;
	v5 =	vadd.f32 v7, v5  }
0xaf: {  	v63 =	vadd.f32 $-5.000000000e-01, v62;
	v4 =	vmul.f32 v53, v4;
	v3 =	vsel vm12, v3, v60  }
0xb0: {  	s28 =	sadd.s32 $0x1, s28;
	v2 =	vadd.f32 v6, v2;
	vm13 =	vlt.f32 v62, $1.000000000e+00;
	v3 =	vadd.f32 v5, v3  }
0xb1: {  	v0 =	vadd.f32 v1, v0;
	p0 =	sne.s32 s28, $0x5;
	vm14 =	vgt.s32 v59, $0x0;
	v1 =	vsel vm13, v4, v63  }
.Ltmp1:
0xb2: {  	v2 =	vnsel vm14, $0x0, v2;
	v1 =	vadd.f32 v3, v1;
	(pc) =	sbr.rel @p0 .LBB2_2-.Ltmp1, $3  }
0xb3: {  	vm15 =	vgt.s32 v61, $0x0;
	v0 =	vadd.f32 v2, v0  }
0xb4: {  	v1 =	vnsel vm15, $0x0, v1  }
0xb5: {  	v0 =	vadd.f32 v1, v0;
	_ =	sdelay $0x1  }
0xb6: {  	s26 =	sadd.s32 $0x1, s26  }
0xb7: {  	s0 =	simm.s32 $0x0;
	p0 =	sne.s32 s26, s10  }
.Ltmp2:
0xb8: {  	[tilespmem:$0xD000] =	vst v0;
	s1 =	rddreg [dreg:$0x2];
	s2 =	simm.s32 $0xD000;
	(pc) =	sbr.rel @p0 .LBB2_1-.Ltmp2, $4  }
0xb9: {  	[hbm4b:s1+s0] =	stream.linear.scatter [tilespmem:s2], [sflag:$0x2], $0x80, $0x38;
	[tilespmem:$0xD080] =	vst v63  }
0xba: {  	_ =	swait.ge [sflag:s25], $0x80  }
0xbb: {  	[sflag:s25] =	ssyncset.done $0x0  }
0xbc: {  	[sflag:s25] =	ssyncadd.s32 $0xFFFFFF80  }
0xbd: {  	_ =	sfence.sel $0x180000  }
0xbe: {  	[bflag:$0x0] =	sbarrier.arrive $0xFFFF  }
0xbf: {  	_ =	strace $0x90000047  }
0xc0: {  	s0 =	stileid.u32;
	[bflag:$0x2] =	sbarrier.arrive $0xFFFF  }
0xc1: {  	p0 =	sne.s32 s0, $0x0;
	s0 =	rddreg [dreg:$0x1]  }
0xc2: {  	s0 =	sadd.s32 @!p0 $0x100000, s0  }
0xc3: {  	[sflag:s0] =	ssyncadd.tile.s32 @!p0 $0x1;
	_ =	shalt  }
.Lfunc_end2:
_tile_overlayer_lowered:
.L_overlay_start_2:
0xc4: {  	(tag) =	ssettag $0x2  }
0xc5: {  	s0 =	rddreg [dreg:$0x0];
	s2 =	stileid.u32  }
0xc6: {  	s1 =	rddreg [dreg:$0x1];
	p0 =	sne.s32 s2, $0x0  }
0xc7: {  	s3 =	rddreg [dreg:$0x2];
	[bflag:$0x3] =	sbarrier.arrive $0xFFFF;
	s2 =	simm.s32 @!p0 $0x1C02  }
0xc8: {  	[timem:s3], [sflag:s2] =	dma.local @!p0 [hbm:s0], s1  }
0xc9: {  	s0 =	simm.s32 @!p0 $0x2  }
0xca: {  	_ =	swait.ge @!p0 [sflag:s0], s1  }
0xcb: {  	s1 =	ssub.s32 @!p0 $0x0, s1;
	[sflag:s0] =	ssyncset.done @!p0 $0x0  }
0xcc: {  	[sflag:s0] =	ssyncadd.s32 @!p0 s1  }
0xcd: {  	[bflag:$0x3] =	sbarrier.arrive $0xFFFF  }
0xce: {  	_ =	shalt  }

</sc_bundles>
